<compile_context>
chip_gen: v7x
topology: tpu7x:2x2x1
jax: 0.10.2.dev20260603
libtpu: 0.0.44.dev20260713+nightly
codegen_flags: <defaults>
</compile_context>

<pallas_src>
import functools

import jax
import jax.numpy as jnp
from jax import lax
from jax.experimental import pallas as pl
from jax.experimental.pallas import tpu as pltpu
from jax.experimental.pallas import tpu_sc as plsc

N = 100000
E = 3200000
NC, NS = 2, 16
NW = NC * NS
LANE = 128
KC = 24
CHUNK = KC * LANE
EPW = ((E + NW * CHUNK - 1) // (NW * CHUNK)) * CHUNK
EP = EPW * NW
NCHUNKS = EPW // CHUNK
NB = 6272
NPAD = NB * NS

_MESH = plsc.VectorSubcoreMesh(core_axis_name="c", subcore_axis_name="s")


def _make_deg(kc, sl=LANE):
    chunk = kc * sl
    nchunks = EPW // chunk
    assert nchunks * chunk == EPW and nchunks % 2 == 0

    @functools.partial(
        pl.kernel,
        out_type=jax.ShapeDtypeStruct((NC * NPAD,), jnp.float32),
        mesh=_MESH,
        scratch_types=[
            pltpu.VMEM((chunk,), jnp.int32),
            pltpu.VMEM((chunk,), jnp.int32),
            pltpu.VMEM((sl,), jnp.float32),
            pltpu.VMEM_SHARED((NPAD,), jnp.float32),
            pltpu.SemaphoreType.DMA,
            pltpu.SemaphoreType.DMA,
        ],
        compiler_params=pltpu.CompilerParams(use_tc_tiling_on_sc=False),
    )
    def deg_kernel(dst_hbm, ones_hbm, zeros_hbm, out_hbm,
                   didx0, didx1, ones_v, acc, ss0, ss1):
        c = lax.axis_index("c")
        s = lax.axis_index("s")
        wid = c * NS + s
        didxs = (didx0, didx1)
        sss = (ss0, ss1)
        pltpu.sync_copy(ones_hbm, ones_v)
        pltpu.sync_copy(zeros_hbm, acc.at[pl.ds(s * NB, NB)])
        plsc.subcore_barrier()
        ebase0 = wid * EPW

        def scatter_descs(b):
            return [pltpu.make_async_copy(
                ones_v, acc.at[didxs[b].at[pl.ds(j * sl, sl)]], sss[b])
                for j in range(kc)]

        def body(i, carry):
            for b in range(2):
                @pl.when(i > 0)
                def _():
                    for d in scatter_descs(b):
                        d.wait()

                ebase = ebase0 + (2 * i + b) * chunk
                pltpu.sync_copy(dst_hbm.at[pl.ds(ebase, chunk)], didxs[b])
                for j in range(kc):
                    pltpu.async_copy(
                        ones_v, acc.at[didxs[b].at[pl.ds(j * sl, sl)]],
                        sss[b], add=True)
            return carry

        lax.fori_loop(0, nchunks // 2, body, 0)
        for b in range(2):
            for d in scatter_descs(b):
                d.wait()
        plsc.subcore_barrier()
        pltpu.sync_copy(acc.at[pl.ds(s * NB, NB)],
                        out_hbm.at[pl.ds(c * NPAD + s * NB, NB)])

    return deg_kernel


def _make_prop(C, stage_table, kc, sl=LANE):
    chunk = kc * sl
    nchunks = EPW // chunk
    assert nchunks * chunk == EPW and nchunks % 2 == 0
    scratch = [
        pltpu.VMEM((chunk,), jnp.int32),
        pltpu.VMEM((chunk,), jnp.int32),
        pltpu.VMEM((chunk,), jnp.int32),
        pltpu.VMEM((chunk,), jnp.int32),
        pltpu.VMEM((chunk, C), jnp.float32),
        pltpu.VMEM((chunk, C), jnp.float32),
        pltpu.VMEM_SHARED((NPAD, C), jnp.float32),
        pltpu.SemaphoreType.DMA,
        pltpu.SemaphoreType.DMA,
        pltpu.SemaphoreType.DMA,
        pltpu.SemaphoreType.DMA,
    ]
    if stage_table:
        scratch.append(pltpu.VMEM_SHARED((NPAD, C), jnp.float32))

    @functools.partial(
        pl.kernel,
        out_type=jax.ShapeDtypeStruct((NC * NPAD, C), jnp.float32),
        mesh=_MESH,
        scratch_types=scratch,
        compiler_params=pltpu.CompilerParams(use_tc_tiling_on_sc=False),
    )
    def prop_kernel(src_hbm, dst_hbm, table_hbm, zeros_hbm, out_hbm,
                    sidx0, sidx1, didx0, didx1, rows0, rows1, acc,
                    sg0, sg1, ss0, ss1, *maybe_tab):
        c = lax.axis_index("c")
        s = lax.axis_index("s")
        wid = c * NS + s
        sidxs, didxs = (sidx0, sidx1), (didx0, didx1)
        rowss, sgs, sss = (rows0, rows1), (sg0, sg1), (ss0, ss1)
        pltpu.sync_copy(zeros_hbm, acc.at[pl.ds(s * NB, NB)])
        if stage_table:
            table = maybe_tab[0]
            pltpu.sync_copy(table_hbm.at[pl.ds(s * NB, NB)],
                            table.at[pl.ds(s * NB, NB)])
        else:
            table = table_hbm
        plsc.subcore_barrier()
        ebase0 = wid * EPW

        def scatter_descs(b):
            return [pltpu.make_async_copy(
                rowss[b].at[pl.ds(j * sl, sl)],
                acc.at[didxs[b].at[pl.ds(j * sl, sl)]], sss[b])
                for j in range(kc)]

        def body(i, carry):
            for b in range(2):
                @pl.when(i > 0)
                def _():
                    for d in scatter_descs(b):
                        d.wait()

                ebase = ebase0 + (2 * i + b) * chunk
                pltpu.sync_copy(src_hbm.at[pl.ds(ebase, chunk)], sidxs[b])
                pltpu.sync_copy(dst_hbm.at[pl.ds(ebase, chunk)], didxs[b])
                for j in range(kc):
                    pltpu.async_copy(
                        table.at[sidxs[b].at[pl.ds(j * sl, sl)]],
                        rowss[b].at[pl.ds(j * sl, sl)], sgs[b])
                for j in range(kc):
                    pltpu.make_async_copy(
                        table.at[sidxs[b].at[pl.ds(j * sl, sl)]],
                        rowss[b].at[pl.ds(j * sl, sl)], sgs[b]).wait()
                for j in range(kc):
                    pltpu.async_copy(
                        rowss[b].at[pl.ds(j * sl, sl)],
                        acc.at[didxs[b].at[pl.ds(j * sl, sl)]],
                        sss[b], add=True)
            return carry

        lax.fori_loop(0, nchunks // 2, body, 0)
        for b in range(2):
            for d in scatter_descs(b):
                d.wait()
        plsc.subcore_barrier()
        pltpu.sync_copy(acc.at[pl.ds(s * NB, NB)],
                        out_hbm.at[pl.ds(c * NPAD + s * NB, NB)])

    return prop_kernel


def _make_prop_cols(kc, sl):
    chunk = kc * sl
    epc = EP // NS
    nchunks = epc // chunk
    assert nchunks * chunk == epc and nchunks % 2 == 0

    @functools.partial(
        pl.kernel,
        out_type=jax.ShapeDtypeStruct((NC * NPAD, 8), jnp.float32),
        mesh=_MESH,
        scratch_types=[
            pltpu.VMEM((chunk,), jnp.int32),
            pltpu.VMEM((chunk,), jnp.int32),
            pltpu.VMEM((chunk,), jnp.int32),
            pltpu.VMEM((chunk,), jnp.int32),
            pltpu.VMEM((chunk, 8), jnp.float32),
            pltpu.VMEM((chunk, 8), jnp.float32),
            pltpu.VMEM_SHARED((NPAD, 8), jnp.float32),
            pltpu.VMEM_SHARED((NPAD, 8), jnp.float32),
            pltpu.SemaphoreType.DMA,
            pltpu.SemaphoreType.DMA,
            pltpu.SemaphoreType.DMA,
            pltpu.SemaphoreType.DMA,
        ],
        compiler_params=pltpu.CompilerParams(use_tc_tiling_on_sc=False),
    )
    def prop_kernel(src_hbm, dst_hbm, table_hbm, zeros_hbm, out_hbm,
                    sidx0, sidx1, didx0, didx1, rows0, rows1, acc, table,
                    sg0, sg1, ss0, ss1):
        c = lax.axis_index("c")
        s = lax.axis_index("s")
        sidxs, didxs = (sidx0, sidx1), (didx0, didx1)
        rowss, sgs, sss = (rows0, rows1), (sg0, sg1), (ss0, ss1)
        pltpu.sync_copy(zeros_hbm, acc.at[pl.ds(s * NB, NB)])
        pltpu.sync_copy(table_hbm.at[c].at[pl.ds(s * NB, NB)],
                        table.at[pl.ds(s * NB, NB)])
        plsc.subcore_barrier()
        ebase0 = s * epc

        def scatter_descs(b):
            return [pltpu.make_async_copy(
                rowss[b].at[pl.ds(j * sl, sl)],
                acc.at[didxs[b].at[pl.ds(j * sl, sl)]], sss[b])
                for j in range(kc)]

        def body(i, carry):
            for b in range(2):
                @pl.when(i > 0)
                def _():
                    for d in scatter_descs(b):
                        d.wait()

                ebase = ebase0 + (2 * i + b) * chunk
                pltpu.sync_copy(src_hbm.at[pl.ds(ebase, chunk)], sidxs[b])
                pltpu.sync_copy(dst_hbm.at[pl.ds(ebase, chunk)], didxs[b])
                for j in range(kc):
                    pltpu.async_copy(
                        table.at[sidxs[b].at[pl.ds(j * sl, sl)]],
                        rowss[b].at[pl.ds(j * sl, sl)], sgs[b])
                for j in range(kc):
                    pltpu.make_async_copy(
                        table.at[sidxs[b].at[pl.ds(j * sl, sl)]],
                        rowss[b].at[pl.ds(j * sl, sl)], sgs[b]).wait()
                for j in range(kc):
                    pltpu.async_copy(
                        rowss[b].at[pl.ds(j * sl, sl)],
                        acc.at[didxs[b].at[pl.ds(j * sl, sl)]],
                        sss[b], add=True)
            return carry

        lax.fori_loop(0, nchunks // 2, body, 0)
        for b in range(2):
            for d in scatter_descs(b):
                d.wait()
        plsc.subcore_barrier()
        pltpu.sync_copy(acc.at[pl.ds(s * NB, NB)],
                        out_hbm.at[pl.ds(c * NPAD + s * NB, NB)])

    return prop_kernel


_deg_call = _make_deg(kc=1, sl=1536)
_prop8_call = _make_prop(8, stage_table=True, kc=1, sl=1408)
_prop2_call = _make_prop_cols(kc=1, sl=1408)

RP = NPAD // LANE
RX = NPAD * 8 // LANE
BMP = 112
BMR = 392


def _prep_body(p0_ref, p1_ref, dinv_ref):
    dinv_ref[...] = lax.rsqrt(p0_ref[...] + p1_ref[...] + 1.0)


def _xs_body(xp_ref, dinv8_ref, xs_ref):
    xs_ref[...] = xp_ref[...] * dinv8_ref[...]


def _mid_body(z0_ref, z1_ref, xs_ref, dinv8_ref, w1b_ref, b1il_ref,
              w2a_ref, w2b_ref, g2_ref):
    dinv8 = dinv8_ref[...]
    z = (z0_ref[...] + z1_ref[...] + xs_ref[...]) * dinv8
    h = jnp.dot(z, w1b_ref[...], preferred_element_type=jnp.float32,
                precision=lax.Precision.HIGHEST)
    h = jnp.maximum(h + b1il_ref[...], 0.0)
    g2_ref[0] = jnp.dot(h, w2a_ref[...], preferred_element_type=jnp.float32,
                        precision=lax.Precision.HIGHEST) * dinv8
    g2_ref[1] = jnp.dot(h, w2b_ref[...], preferred_element_type=jnp.float32,
                        precision=lax.Precision.HIGHEST) * dinv8


def _post_body(q0_ref, q1_ref, g0_ref, g1_ref, dinv8_ref, b2a_ref, b2b_ref,
               o2_ref):
    dinv8 = dinv8_ref[...]
    o2_ref[0] = (q0_ref[...] + g0_ref[...]) * dinv8 + b2a_ref[...]
    o2_ref[1] = (q1_ref[...] + g1_ref[...]) * dinv8 + b2b_ref[...]


def _prep_call(degf2):
    return pl.pallas_call(
        _prep_body,
        grid=(RP // BMP,),
        in_specs=[pl.BlockSpec((BMP, LANE), lambda i: (i, 0)),
                  pl.BlockSpec((BMP, LANE), lambda i: (i + RP // BMP, 0))],
        out_specs=pl.BlockSpec((BMP, LANE), lambda i: (i, 0)),
        out_shape=jax.ShapeDtypeStruct((RP, LANE), jnp.float32),
    )(degf2, degf2)


def _xs_call(xp_il, dinv8):
    return pl.pallas_call(
        _xs_body,
        grid=(RX // BMR,),
        in_specs=[pl.BlockSpec((BMR, LANE), lambda i: (i, 0)),
                  pl.BlockSpec((BMR, LANE), lambda i: (i, 0))],
        out_specs=pl.BlockSpec((BMR, LANE), lambda i: (i, 0)),
        out_shape=jax.ShapeDtypeStruct((RX, LANE), jnp.float32),
    )(xp_il, dinv8)


def _mid_call(zpf2, xs_il, dinv8, w1b, b1il, w2a, w2b):
    nblk = RX // BMR
    return pl.pallas_call(
        _mid_body,
        grid=(nblk,),
        in_specs=[pl.BlockSpec((BMR, LANE), lambda i: (i, 0)),
                  pl.BlockSpec((BMR, LANE), lambda i, n=nblk: (i + n, 0)),
                  pl.BlockSpec((BMR, LANE), lambda i: (i, 0)),
                  pl.BlockSpec((BMR, LANE), lambda i: (i, 0)),
                  pl.BlockSpec((LANE, 512), lambda i: (0, 0)),
                  pl.BlockSpec((1, 512), lambda i: (0, 0)),
                  pl.BlockSpec((512, LANE), lambda i: (0, 0)),
                  pl.BlockSpec((512, LANE), lambda i: (0, 0))],
        out_specs=pl.BlockSpec((NC, BMR, LANE), lambda i: (0, i, 0)),
        out_shape=jax.ShapeDtypeStruct((NC, RX, LANE), jnp.float32),
    )(zpf2, zpf2, xs_il, dinv8, w1b, b1il, w2a, w2b)


def _post_call(qpf2, g2f, dinv8, b2a, b2b):
    nblk = RX // BMR
    return pl.pallas_call(
        _post_body,
        grid=(nblk,),
        in_specs=[pl.BlockSpec((BMR, LANE), lambda i: (i, 0)),
                  pl.BlockSpec((BMR, LANE), lambda i, n=nblk: (i + n, 0)),
                  pl.BlockSpec((BMR, LANE), lambda i: (i, 0)),
                  pl.BlockSpec((BMR, LANE), lambda i, n=nblk: (i + n, 0)),
                  pl.BlockSpec((BMR, LANE), lambda i: (i, 0)),
                  pl.BlockSpec((1, LANE), lambda i: (0, 0)),
                  pl.BlockSpec((1, LANE), lambda i: (0, 0))],
        out_specs=pl.BlockSpec((NC, BMR, LANE), lambda i: (0, i, 0)),
        out_shape=jax.ShapeDtypeStruct((NC, RX, LANE), jnp.float32),
    )(qpf2, qpf2, g2f, g2f, dinv8, b2a, b2b)


def kernel(x, edge_index, W1, b1, W2, b2):
    src = edge_index[0].astype(jnp.int32)
    dst = edge_index[1].astype(jnp.int32)
    pad = jnp.full((EP - E,), N, jnp.int32)
    src2 = jnp.concatenate([src, pad])
    dst2 = jnp.concatenate([dst, pad])
    ones = jnp.ones((1536,), jnp.float32)
    eye16 = jnp.eye(16, dtype=jnp.float32)
    w1b = jnp.kron(eye16, jnp.pad(W1, ((0, 4), (0, 0))))
    b1il = jnp.tile(b1, 16).reshape(1, 512)
    w2a = jnp.kron(eye16, W2[:, 0:8])
    w2b = jnp.kron(eye16, W2[:, 8:16])
    b2a = jnp.tile(b2[0:8], 16).reshape(1, LANE)
    b2b = jnp.tile(b2[8:16], 16).reshape(1, LANE)

    degf = _deg_call(dst2, ones, jnp.zeros((NB,), jnp.float32))
    dinv = _prep_call(degf.reshape(NC * RP, LANE))
    dinv8 = jnp.broadcast_to(dinv.reshape(NPAD, 1),
                             (NPAD, 8)).reshape(RX, LANE)
    xp_il = jnp.pad(x, ((0, NPAD - N), (0, 4))).reshape(RX, LANE)
    xs_il = _xs_call(xp_il, dinv8)
    zpf = _prop8_call(src2, dst2, xs_il.reshape(NPAD, 8),
                      jnp.zeros((NB, 8), jnp.float32))
    g2 = _mid_call(zpf.reshape(NC * RX, LANE), xs_il, dinv8,
                   w1b, b1il, w2a, w2b)
    qpf = _prop2_call(src2, dst2, g2.reshape(NC, NPAD, 8),
                      jnp.zeros((NB, 8), jnp.float32))
    o2 = _post_call(qpf.reshape(NC * RX, LANE), g2.reshape(NC * RX, LANE),
                    dinv8, b2a, b2b)
    full = jnp.concatenate([o2[0].reshape(NPAD, 8), o2[1].reshape(NPAD, 8)],
                           axis=1)
    return lax.slice(full, (0, 0), (N, 16))

# --- scband reference (transcript-rebuilt; emitter-appended) ---
"""Pipeline reference for scband-vessel-gnn-64433099375014 (READ-ONLY COPY).

The authoritative reference and input builder live on the scoring server;
editing this copy changes nothing except your own understanding.
"""

import jax, jax.numpy as jnp
import numpy as np

N_NODES = 100000

def gcn_conv(x, edge_index, W, b):
    N = x.shape[0]
    src = edge_index[0]
    dst = edge_index[1]
    loop = jnp.arange(N, dtype=src.dtype)
    src = jnp.concatenate([src, loop])
    dst = jnp.concatenate([dst, loop])
    h = x @ W
    deg = jnp.zeros((N,), dtype=h.dtype).at[dst].add(1.0)
    dinv = jnp.where(deg > 0, deg ** -0.5, 0.0)
    norm = dinv[src] * dinv[dst]
    msg = h[src] * norm[:, None]
    out = jnp.zeros((N, h.shape[1]), dtype=h.dtype).at[dst].add(msg)
    return out + b

def setup_inputs(seed: int = 0) -> dict:
    key = jax.random.key(seed)
    k1, k2, k3, k4, k5, k6 = jax.random.split(key, 6)
    x = jax.random.normal(k1, (N_NODES, 4), dtype=jnp.float32)
    edge_index = jax.random.randint(k2, (2, 3200000), 0, N_NODES, dtype=jnp.int64)
    W1 = jax.random.normal(k3, (4, 32), dtype=jnp.float32) * (1.0 / np.sqrt(4))
    b1 = jnp.zeros((32,), dtype=jnp.float32)
    W2 = jax.random.normal(k4, (32, 16), dtype=jnp.float32) * (1.0 / np.sqrt(32))
    b2 = jnp.zeros((16,), dtype=jnp.float32)
    return {"x": x, "edge_index": edge_index, "W1": W1, "b1": b1, "W2": W2, "b2": b2}

def reference(x, edge_index, W1, b1, W2, b2):
    h = gcn_conv(x, edge_index, W1, b1)
    h = jax.nn.relu(h)
    out = gcn_conv(h, edge_index, W2, b2)
    return out

if __name__ == "__main__":
    import jax
    _d = setup_inputs()
    print(jax.jit(kernel)(*tuple(_d.values())))

</pallas_src>

<mosaic_0001>
#map = affine_map<(d0, d1) -> (0)>
#map1 = affine_map<(d0, d1) -> (0, 0, 0)>
#map2 = affine_map<(d0, d1) -> (0, 0)>
module attributes {stable_mosaic.version = 14 : i64} {
  func.func @prop_kernel(%arg0: i32, %arg1: i32, %arg2: memref<3244032xi32, #tpu.memory_space<hbm>>, %arg3: memref<3244032xi32, #tpu.memory_space<hbm>>, %arg4: memref<2x100352x8xf32, #tpu.memory_space<hbm>>, %arg5: memref<6272x8xf32, #tpu.memory_space<hbm>>, %arg6: memref<200704x8xf32, #tpu.memory_space<hbm>>, %arg7: memref<1408xi32, #tpu.memory_space<vmem>>, %arg8: memref<1408xi32, #tpu.memory_space<vmem>>, %arg9: memref<1408xi32, #tpu.memory_space<vmem>>, %arg10: memref<1408xi32, #tpu.memory_space<vmem>>, %arg11: memref<1408x8xf32, #tpu.memory_space<vmem>>, %arg12: memref<1408x8xf32, #tpu.memory_space<vmem>>, %arg13: memref<100352x8xf32, #tpu.memory_space<vmem_shared>>, %arg14: memref<100352x8xf32, #tpu.memory_space<vmem_shared>>, %arg15: memref<!tpu.dma_semaphore, #tpu.memory_space<semaphore_mem>>, %arg16: memref<!tpu.dma_semaphore, #tpu.memory_space<semaphore_mem>>, %arg17: memref<!tpu.dma_semaphore, #tpu.memory_space<semaphore_mem>>, %arg18: memref<!tpu.dma_semaphore, #tpu.memory_space<semaphore_mem>>) attributes {dimension_semantics = [#tpu.dimension_semantics<core_parallel>, #tpu.dimension_semantics<subcore_parallel>], iteration_bounds = array<i64: 2, 16>, scalar_prefetch = 0 : i64, scratch_operands = 12 : i64, tpu.core_type = #tpu.core_type<sc_vector_subcore>, window_params = [{transform_indices = #map}, {transform_indices = #map}, {transform_indices = #map1}, {transform_indices = #map2}, {transform_indices = #map2}]} {
    %mul3A = arith.constant 6272 : i32
    %mul3A_0 = arith.muli %arg1, %mul3A : i32
    "tpu.region"() ({
      %run_scoped3A = tpu.sem_alloc : memref<!tpu.dma_semaphore, #tpu.memory_space<semaphore_mem>>
      %dma_start3A = arith.constant 0 : i32
      %dma_start3A_34 = tpu.memref_slice %arg13[%mul3A_0, %dma_start3A] : memref<100352x8xf32, #tpu.memory_space<vmem_shared>> -> memref<6272x8xf32, #tpu.memory_space<vmem_shared>>
      tpu.enqueue_dma source(%arg5 : memref<6272x8xf32, #tpu.memory_space<hbm>>) target(%dma_start3A_34 : memref<6272x8xf32, #tpu.memory_space<vmem_shared>>) target_semaphore(%run_scoped3A : memref<!tpu.dma_semaphore, #tpu.memory_space<semaphore_mem>>)
      %dma_wait3A_35 = arith.constant 0 : i32
      %dma_wait3A_36 = tpu.memref_slice %arg13[%mul3A_0, %dma_wait3A_35] : memref<100352x8xf32, #tpu.memory_space<vmem_shared>> -> memref<6272x8xf32, #tpu.memory_space<vmem_shared>>
      tpu.wait_dma2 semaphore(%run_scoped3A : memref<!tpu.dma_semaphore, #tpu.memory_space<semaphore_mem>>) src(%arg5 : memref<6272x8xf32, #tpu.memory_space<hbm>>) dst(%dma_wait3A_36 : memref<6272x8xf32, #tpu.memory_space<vmem_shared>>)
      tpu.yield
    }) : () -> ()
    %mul3A_1 = arith.constant 6272 : i32
    %mul3A_2 = arith.muli %arg1, %mul3A_1 : i32
    %mul3A_3 = arith.constant 6272 : i32
    %mul3A_4 = arith.muli %arg1, %mul3A_3 : i32
    "tpu.region"() ({
      %run_scoped3A = tpu.sem_alloc : memref<!tpu.dma_semaphore, #tpu.memory_space<semaphore_mem>>
      %dma_start3A = arith.constant 0 : i32
      %dma_start3A_34 = tpu.memref_slice %arg14[%mul3A_4, %dma_start3A] : memref<100352x8xf32, #tpu.memory_space<vmem_shared>> -> memref<6272x8xf32, #tpu.memory_space<vmem_shared>>
      %dma_start3A_35 = arith.constant 0 : i32
      %dma_start3A_36 = arith.constant 0 : i32
      %dma_start3A_37 = tpu.memref_slice %arg4[%arg0, %dma_start3A_35, %dma_start3A_36] : memref<2x100352x8xf32, #tpu.memory_space<hbm>> -> memref<1x100352x8xf32, #tpu.memory_space<hbm>>
      %dma_start3A_38 = tpu.memref_squeeze %dma_start3A_37 : memref<1x100352x8xf32, #tpu.memory_space<hbm>> -> memref<100352x8xf32, #tpu.memory_space<hbm>>
      %dma_start3A_39 = arith.constant 0 : i32
      %dma_start3A_40 = tpu.memref_slice %dma_start3A_38[%mul3A_2, %dma_start3A_39] : memref<100352x8xf32, #tpu.memory_space<hbm>> -> memref<6272x8xf32, #tpu.memory_space<hbm>>
      tpu.enqueue_dma source(%dma_start3A_40 : memref<6272x8xf32, #tpu.memory_space<hbm>>) target(%dma_start3A_34 : memref<6272x8xf32, #tpu.memory_space<vmem_shared>>) target_semaphore(%run_scoped3A : memref<!tpu.dma_semaphore, #tpu.memory_space<semaphore_mem>>)
      %dma_wait3A_41 = arith.constant 0 : i32
      %dma_wait3A_42 = tpu.memref_slice %arg14[%mul3A_4, %dma_wait3A_41] : memref<100352x8xf32, #tpu.memory_space<vmem_shared>> -> memref<6272x8xf32, #tpu.memory_space<vmem_shared>>
      %dma_wait3A_43 = arith.constant 0 : i32
      %dma_wait3A_44 = arith.constant 0 : i32
      %dma_wait3A_45 = tpu.memref_slice %arg4[%arg0, %dma_wait3A_43, %dma_wait3A_44] : memref<2x100352x8xf32, #tpu.memory_space<hbm>> -> memref<1x100352x8xf32, #tpu.memory_space<hbm>>
      %dma_wait3A_46 = tpu.memref_squeeze %dma_wait3A_45 : memref<1x100352x8xf32, #tpu.memory_space<hbm>> -> memref<100352x8xf32, #tpu.memory_space<hbm>>
      %dma_wait3A_47 = arith.constant 0 : i32
      %dma_wait3A_48 = tpu.memref_slice %dma_wait3A_46[%mul3A_2, %dma_wait3A_47] : memref<100352x8xf32, #tpu.memory_space<hbm>> -> memref<6272x8xf32, #tpu.memory_space<hbm>>
      tpu.wait_dma2 semaphore(%run_scoped3A : memref<!tpu.dma_semaphore, #tpu.memory_space<semaphore_mem>>) src(%dma_wait3A_48 : memref<6272x8xf32, #tpu.memory_space<hbm>>) dst(%dma_wait3A_42 : memref<6272x8xf32, #tpu.memory_space<vmem_shared>>)
      tpu.yield
    }) : () -> ()
    %barrier3A = arith.constant 0 : index
    tpu.barrier barrier_id(%barrier3A)
    %mul3A_5 = arith.constant 202752 : i32
    %mul3A_6 = arith.muli %arg1, %mul3A_5 : i32
    %scan3A = arith.constant 0 : i32
    %scan3A_7 = arith.constant 0 : i32
    %scan3A_8 = arith.constant 72 : i32
    %scan3A_9 = arith.addi %scan3A_7, %scan3A_8 : i32
    %scan3A_10 = arith.constant 1 : i32
    scf.for %scan3A_34 = %scan3A_7 to %scan3A_9 step %scan3A_10  : i32 {
      %gt3A = arith.constant 0 : i32
      %gt3A_35 = arith.cmpi sgt, %scan3A_34, %gt3A : i32
      %convert_element_type3A = arith.extui %gt3A_35 : i1 to i32
      %cond3A = arith.constant 0 : i32
      %cond3A_36 = arith.cmpi ne, %convert_element_type3A, %cond3A : i32
      scf.if %cond3A_36 {
        %dma_wait3A_103 = arith.constant 0 : i32
        %dma_wait3A_104 = arith.constant 0 : i32
        %dma_wait3A_105 = tpu.memref_slice %arg11[%dma_wait3A_103, %dma_wait3A_104] : memref<1408x8xf32, #tpu.memory_space<vmem>> -> memref<1408x8xf32, #tpu.memory_space<vmem>>
        %dma_wait3A_106 = arith.constant 0 : i32
        %dma_wait3A_107 = tpu.memref_slice %arg9[%dma_wait3A_106] : memref<1408xi32, #tpu.memory_space<vmem>> -> memref<1408xi32, #tpu.memory_space<vmem>>
        %dma_wait3A_108 = arith.constant 0 : i32
        %dma_wait3A_109 = arith.constant 0 : i32
        %dma_wait3A_110 = tpu.memref_slice %arg13[%dma_wait3A_108, %dma_wait3A_109] : memref<100352x8xf32, #tpu.memory_space<vmem_shared>> -> memref<100352x8xf32, #tpu.memory_space<vmem_shared>>
        tpu.wait_indirect_dma semaphore(%arg17 : memref<!tpu.dma_semaphore, #tpu.memory_space<semaphore_mem>>) src(%dma_wait3A_105 : memref<1408x8xf32, #tpu.memory_space<vmem>>) dst(%dma_wait3A_110 : memref<100352x8xf32, #tpu.memory_space<vmem_shared>>)
      } else {
      }
      %mul3A_37 = arith.constant 2 : i32
      %mul3A_38 = arith.muli %mul3A_37, %scan3A_34 : i32
      %add3A_39 = arith.constant 0 : i32
      %add3A_40 = arith.addi %mul3A_38, %add3A_39 : i32
      %mul3A_41 = arith.constant 1408 : i32
      %mul3A_42 = arith.muli %add3A_40, %mul3A_41 : i32
      %add3A_43 = arith.addi %mul3A_6, %mul3A_42 : i32
      "tpu.region"() ({
        %run_scoped3A = tpu.sem_alloc : memref<!tpu.dma_semaphore, #tpu.memory_space<semaphore_mem>>
        %dma_start3A_103 = tpu.memref_slice %arg2[%add3A_43] : memref<3244032xi32, #tpu.memory_space<hbm>> -> memref<1408xi32, #tpu.memory_space<hbm>>
        %dma_start3A_104 = tpu.memref_slice %arg2[%add3A_43] : memref<3244032xi32, #tpu.memory_space<hbm>> -> memref<1408xi32, #tpu.memory_space<hbm>>
        tpu.enqueue_dma source(%dma_start3A_104 : memref<1408xi32, #tpu.memory_space<hbm>>) target(%arg7 : memref<1408xi32, #tpu.memory_space<vmem>>) target_semaphore(%run_scoped3A : memref<!tpu.dma_semaphore, #tpu.memory_space<semaphore_mem>>)
        %dma_wait3A_105 = tpu.memref_slice %arg2[%add3A_43] : memref<3244032xi32, #tpu.memory_space<hbm>> -> memref<1408xi32, #tpu.memory_space<hbm>>
        %dma_wait3A_106 = tpu.memref_slice %arg2[%add3A_43] : memref<3244032xi32, #tpu.memory_space<hbm>> -> memref<1408xi32, #tpu.memory_space<hbm>>
        tpu.wait_dma2 semaphore(%run_scoped3A : memref<!tpu.dma_semaphore, #tpu.memory_space<semaphore_mem>>) src(%dma_wait3A_106 : memref<1408xi32, #tpu.memory_space<hbm>>) dst(%arg7 : memref<1408xi32, #tpu.memory_space<vmem>>)
        tpu.yield
      }) : () -> ()
      "tpu.region"() ({
        %run_scoped3A = tpu.sem_alloc : memref<!tpu.dma_semaphore, #tpu.memory_space<semaphore_mem>>
        %dma_start3A_103 = tpu.memref_slice %arg3[%add3A_43] : memref<3244032xi32, #tpu.memory_space<hbm>> -> memref<1408xi32, #tpu.memory_space<hbm>>
        %dma_start3A_104 = tpu.memref_slice %arg3[%add3A_43] : memref<3244032xi32, #tpu.memory_space<hbm>> -> memref<1408xi32, #tpu.memory_space<hbm>>
        tpu.enqueue_dma source(%dma_start3A_104 : memref<1408xi32, #tpu.memory_space<hbm>>) target(%arg9 : memref<1408xi32, #tpu.memory_space<vmem>>) target_semaphore(%run_scoped3A : memref<!tpu.dma_semaphore, #tpu.memory_space<semaphore_mem>>)
        %dma_wait3A_105 = tpu.memref_slice %arg3[%add3A_43] : memref<3244032xi32, #tpu.memory_space<hbm>> -> memref<1408xi32, #tpu.memory_space<hbm>>
        %dma_wait3A_106 = tpu.memref_slice %arg3[%add3A_43] : memref<3244032xi32, #tpu.memory_space<hbm>> -> memref<1408xi32, #tpu.memory_space<hbm>>
        tpu.wait_dma2 semaphore(%run_scoped3A : memref<!tpu.dma_semaphore, #tpu.memory_space<semaphore_mem>>) src(%dma_wait3A_106 : memref<1408xi32, #tpu.memory_space<hbm>>) dst(%arg9 : memref<1408xi32, #tpu.memory_space<vmem>>)
        tpu.yield
      }) : () -> ()
      %dma_start3A = arith.constant 0 : i32
      %dma_start3A_44 = arith.constant 0 : i32
      %dma_start3A_45 = tpu.memref_slice %arg11[%dma_start3A, %dma_start3A_44] : memref<1408x8xf32, #tpu.memory_space<vmem>> -> memref<1408x8xf32, #tpu.memory_space<vmem>>
      %dma_start3A_46 = arith.constant 0 : i32
      %dma_start3A_47 = tpu.memref_slice %arg7[%dma_start3A_46] : memref<1408xi32, #tpu.memory_space<vmem>> -> memref<1408xi32, #tpu.memory_space<vmem>>
      %dma_start3A_48 = arith.constant 0 : i32
      %dma_start3A_49 = arith.constant 0 : i32
      %dma_start3A_50 = tpu.memref_slice %arg14[%dma_start3A_48, %dma_start3A_49] : memref<100352x8xf32, #tpu.memory_space<vmem_shared>> -> memref<100352x8xf32, #tpu.memory_space<vmem_shared>>
      tpu.enqueue_indirect_dma source(%dma_start3A_50 : memref<100352x8xf32, #tpu.memory_space<vmem_shared>>) target(%dma_start3A_45 : memref<1408x8xf32, #tpu.memory_space<vmem>>) offsets(%dma_start3A_47 : memref<1408xi32, #tpu.memory_space<vmem>>) semaphore(%arg15 : memref<!tpu.dma_semaphore, #tpu.memory_space<semaphore_mem>>)
      %dma_wait3A_51 = arith.constant 0 : i32
      %dma_wait3A_52 = arith.constant 0 : i32
      %dma_wait3A_53 = tpu.memref_slice %arg11[%dma_wait3A_51, %dma_wait3A_52] : memref<1408x8xf32, #tpu.memory_space<vmem>> -> memref<1408x8xf32, #tpu.memory_space<vmem>>
      %dma_wait3A_54 = arith.constant 0 : i32
      %dma_wait3A_55 = tpu.memref_slice %arg7[%dma_wait3A_54] : memref<1408xi32, #tpu.memory_space<vmem>> -> memref<1408xi32, #tpu.memory_space<vmem>>
      %dma_wait3A_56 = arith.constant 0 : i32
      %dma_wait3A_57 = arith.constant 0 : i32
      %dma_wait3A_58 = tpu.memref_slice %arg14[%dma_wait3A_56, %dma_wait3A_57] : memref<100352x8xf32, #tpu.memory_space<vmem_shared>> -> memref<100352x8xf32, #tpu.memory_space<vmem_shared>>
      tpu.wait_indirect_dma semaphore(%arg15 : memref<!tpu.dma_semaphore, #tpu.memory_space<semaphore_mem>>) src(%dma_wait3A_58 : memref<100352x8xf32, #tpu.memory_space<vmem_shared>>) dst(%dma_wait3A_53 : memref<1408x8xf32, #tpu.memory_space<vmem>>)
      %dma_start3A_59 = arith.constant 0 : i32
      %dma_start3A_60 = arith.constant 0 : i32
      %dma_start3A_61 = tpu.memref_slice %arg11[%dma_start3A_59, %dma_start3A_60] : memref<1408x8xf32, #tpu.memory_space<vmem>> -> memref<1408x8xf32, #tpu.memory_space<vmem>>
      %dma_start3A_62 = arith.constant 0 : i32
      %dma_start3A_63 = tpu.memref_slice %arg9[%dma_start3A_62] : memref<1408xi32, #tpu.memory_space<vmem>> -> memref<1408xi32, #tpu.memory_space<vmem>>
      %dma_start3A_64 = arith.constant 0 : i32
      %dma_start3A_65 = arith.constant 0 : i32
      %dma_start3A_66 = tpu.memref_slice %arg13[%dma_start3A_64, %dma_start3A_65] : memref<100352x8xf32, #tpu.memory_space<vmem_shared>> -> memref<100352x8xf32, #tpu.memory_space<vmem_shared>>
      tpu.enqueue_indirect_dma source(%dma_start3A_61 : memref<1408x8xf32, #tpu.memory_space<vmem>>) target(%dma_start3A_66 : memref<100352x8xf32, #tpu.memory_space<vmem_shared>>) offsets(%dma_start3A_63 : memref<1408xi32, #tpu.memory_space<vmem>>) semaphore(%arg17 : memref<!tpu.dma_semaphore, #tpu.memory_space<semaphore_mem>>) {add = true}
      %gt3A_67 = arith.constant 0 : i32
      %gt3A_68 = arith.cmpi sgt, %scan3A_34, %gt3A_67 : i32
      %convert_element_type3A_69 = arith.extui %gt3A_68 : i1 to i32
      %cond3A_70 = arith.constant 0 : i32
      %cond3A_71 = arith.cmpi ne, %convert_element_type3A_69, %cond3A_70 : i32
      scf.if %cond3A_71 {
        %dma_wait3A_103 = arith.constant 0 : i32
        %dma_wait3A_104 = arith.constant 0 : i32
        %dma_wait3A_105 = tpu.memref_slice %arg12[%dma_wait3A_103, %dma_wait3A_104] : memref<1408x8xf32, #tpu.memory_space<vmem>> -> memref<1408x8xf32, #tpu.memory_space<vmem>>
        %dma_wait3A_106 = arith.constant 0 : i32
        %dma_wait3A_107 = tpu.memref_slice %arg10[%dma_wait3A_106] : memref<1408xi32, #tpu.memory_space<vmem>> -> memref<1408xi32, #tpu.memory_space<vmem>>
        %dma_wait3A_108 = arith.constant 0 : i32
        %dma_wait3A_109 = arith.constant 0 : i32
        %dma_wait3A_110 = tpu.memref_slice %arg13[%dma_wait3A_108, %dma_wait3A_109] : memref<100352x8xf32, #tpu.memory_space<vmem_shared>> -> memref<100352x8xf32, #tpu.memory_space<vmem_shared>>
        tpu.wait_indirect_dma semaphore(%arg18 : memref<!tpu.dma_semaphore, #tpu.memory_space<semaphore_mem>>) src(%dma_wait3A_105 : memref<1408x8xf32, #tpu.memory_space<vmem>>) dst(%dma_wait3A_110 : memref<100352x8xf32, #tpu.memory_space<vmem_shared>>)
      } else {
      }
      %mul3A_72 = arith.constant 2 : i32
      %mul3A_73 = arith.muli %mul3A_72, %scan3A_34 : i32
      %add3A_74 = arith.constant 1 : i32
      %add3A_75 = arith.addi %mul3A_73, %add3A_74 : i32
      %mul3A_76 = arith.constant 1408 : i32
      %mul3A_77 = arith.muli %add3A_75, %mul3A_76 : i32
      %add3A_78 = arith.addi %mul3A_6, %mul3A_77 : i32
      "tpu.region"() ({
        %run_scoped3A = tpu.sem_alloc : memref<!tpu.dma_semaphore, #tpu.memory_space<semaphore_mem>>
        %dma_start3A_103 = tpu.memref_slice %arg2[%add3A_78] : memref<3244032xi32, #tpu.memory_space<hbm>> -> memref<1408xi32, #tpu.memory_space<hbm>>
        %dma_start3A_104 = tpu.memref_slice %arg2[%add3A_78] : memref<3244032xi32, #tpu.memory_space<hbm>> -> memref<1408xi32, #tpu.memory_space<hbm>>
        tpu.enqueue_dma source(%dma_start3A_104 : memref<1408xi32, #tpu.memory_space<hbm>>) target(%arg8 : memref<1408xi32, #tpu.memory_space<vmem>>) target_semaphore(%run_scoped3A : memref<!tpu.dma_semaphore, #tpu.memory_space<semaphore_mem>>)
        %dma_wait3A_105 = tpu.memref_slice %arg2[%add3A_78] : memref<3244032xi32, #tpu.memory_space<hbm>> -> memref<1408xi32, #tpu.memory_space<hbm>>
        %dma_wait3A_106 = tpu.memref_slice %arg2[%add3A_78] : memref<3244032xi32, #tpu.memory_space<hbm>> -> memref<1408xi32, #tpu.memory_space<hbm>>
        tpu.wait_dma2 semaphore(%run_scoped3A : memref<!tpu.dma_semaphore, #tpu.memory_space<semaphore_mem>>) src(%dma_wait3A_106 : memref<1408xi32, #tpu.memory_space<hbm>>) dst(%arg8 : memref<1408xi32, #tpu.memory_space<vmem>>)
        tpu.yield
      }) : () -> ()
      "tpu.region"() ({
        %run_scoped3A = tpu.sem_alloc : memref<!tpu.dma_semaphore, #tpu.memory_space<semaphore_mem>>
        %dma_start3A_103 = tpu.memref_slice %arg3[%add3A_78] : memref<3244032xi32, #tpu.memory_space<hbm>> -> memref<1408xi32, #tpu.memory_space<hbm>>
        %dma_start3A_104 = tpu.memref_slice %arg3[%add3A_78] : memref<3244032xi32, #tpu.memory_space<hbm>> -> memref<1408xi32, #tpu.memory_space<hbm>>
        tpu.enqueue_dma source(%dma_start3A_104 : memref<1408xi32, #tpu.memory_space<hbm>>) target(%arg10 : memref<1408xi32, #tpu.memory_space<vmem>>) target_semaphore(%run_scoped3A : memref<!tpu.dma_semaphore, #tpu.memory_space<semaphore_mem>>)
        %dma_wait3A_105 = tpu.memref_slice %arg3[%add3A_78] : memref<3244032xi32, #tpu.memory_space<hbm>> -> memref<1408xi32, #tpu.memory_space<hbm>>
        %dma_wait3A_106 = tpu.memref_slice %arg3[%add3A_78] : memref<3244032xi32, #tpu.memory_space<hbm>> -> memref<1408xi32, #tpu.memory_space<hbm>>
        tpu.wait_dma2 semaphore(%run_scoped3A : memref<!tpu.dma_semaphore, #tpu.memory_space<semaphore_mem>>) src(%dma_wait3A_106 : memref<1408xi32, #tpu.memory_space<hbm>>) dst(%arg10 : memref<1408xi32, #tpu.memory_space<vmem>>)
        tpu.yield
      }) : () -> ()
      %dma_start3A_79 = arith.constant 0 : i32
      %dma_start3A_80 = arith.constant 0 : i32
      %dma_start3A_81 = tpu.memref_slice %arg12[%dma_start3A_79, %dma_start3A_80] : memref<1408x8xf32, #tpu.memory_space<vmem>> -> memref<1408x8xf32, #tpu.memory_space<vmem>>
      %dma_start3A_82 = arith.constant 0 : i32
      %dma_start3A_83 = tpu.memref_slice %arg8[%dma_start3A_82] : memref<1408xi32, #tpu.memory_space<vmem>> -> memref<1408xi32, #tpu.memory_space<vmem>>
      %dma_start3A_84 = arith.constant 0 : i32
      %dma_start3A_85 = arith.constant 0 : i32
      %dma_start3A_86 = tpu.memref_slice %arg14[%dma_start3A_84, %dma_start3A_85] : memref<100352x8xf32, #tpu.memory_space<vmem_shared>> -> memref<100352x8xf32, #tpu.memory_space<vmem_shared>>
      tpu.enqueue_indirect_dma source(%dma_start3A_86 : memref<100352x8xf32, #tpu.memory_space<vmem_shared>>) target(%dma_start3A_81 : memref<1408x8xf32, #tpu.memory_space<vmem>>) offsets(%dma_start3A_83 : memref<1408xi32, #tpu.memory_space<vmem>>) semaphore(%arg16 : memref<!tpu.dma_semaphore, #tpu.memory_space<semaphore_mem>>)
      %dma_wait3A_87 = arith.constant 0 : i32
      %dma_wait3A_88 = arith.constant 0 : i32
      %dma_wait3A_89 = tpu.memref_slice %arg12[%dma_wait3A_87, %dma_wait3A_88] : memref<1408x8xf32, #tpu.memory_space<vmem>> -> memref<1408x8xf32, #tpu.memory_space<vmem>>
      %dma_wait3A_90 = arith.constant 0 : i32
      %dma_wait3A_91 = tpu.memref_slice %arg8[%dma_wait3A_90] : memref<1408xi32, #tpu.memory_space<vmem>> -> memref<1408xi32, #tpu.memory_space<vmem>>
      %dma_wait3A_92 = arith.constant 0 : i32
      %dma_wait3A_93 = arith.constant 0 : i32
      %dma_wait3A_94 = tpu.memref_slice %arg14[%dma_wait3A_92, %dma_wait3A_93] : memref<100352x8xf32, #tpu.memory_space<vmem_shared>> -> memref<100352x8xf32, #tpu.memory_space<vmem_shared>>
      tpu.wait_indirect_dma semaphore(%arg16 : memref<!tpu.dma_semaphore, #tpu.memory_space<semaphore_mem>>) src(%dma_wait3A_94 : memref<100352x8xf32, #tpu.memory_space<vmem_shared>>) dst(%dma_wait3A_89 : memref<1408x8xf32, #tpu.memory_space<vmem>>)
      %dma_start3A_95 = arith.constant 0 : i32
      %dma_start3A_96 = arith.constant 0 : i32
      %dma_start3A_97 = tpu.memref_slice %arg12[%dma_start3A_95, %dma_start3A_96] : memref<1408x8xf32, #tpu.memory_space<vmem>> -> memref<1408x8xf32, #tpu.memory_space<vmem>>
      %dma_start3A_98 = arith.constant 0 : i32
      %dma_start3A_99 = tpu.memref_slice %arg10[%dma_start3A_98] : memref<1408xi32, #tpu.memory_space<vmem>> -> memref<1408xi32, #tpu.memory_space<vmem>>
      %dma_start3A_100 = arith.constant 0 : i32
      %dma_start3A_101 = arith.constant 0 : i32
      %dma_start3A_102 = tpu.memref_slice %arg13[%dma_start3A_100, %dma_start3A_101] : memref<100352x8xf32, #tpu.memory_space<vmem_shared>> -> memref<100352x8xf32, #tpu.memory_space<vmem_shared>>
      tpu.enqueue_indirect_dma source(%dma_start3A_97 : memref<1408x8xf32, #tpu.memory_space<vmem>>) target(%dma_start3A_102 : memref<100352x8xf32, #tpu.memory_space<vmem_shared>>) offsets(%dma_start3A_99 : memref<1408xi32, #tpu.memory_space<vmem>>) semaphore(%arg18 : memref<!tpu.dma_semaphore, #tpu.memory_space<semaphore_mem>>) {add = true}
    }
    %scan3A_11 = arith.constant 72 : i32
    %dma_wait3A = arith.constant 0 : i32
    %dma_wait3A_12 = arith.constant 0 : i32
    %dma_wait3A_13 = tpu.memref_slice %arg11[%dma_wait3A, %dma_wait3A_12] : memref<1408x8xf32, #tpu.memory_space<vmem>> -> memref<1408x8xf32, #tpu.memory_space<vmem>>
    %dma_wait3A_14 = arith.constant 0 : i32
    %dma_wait3A_15 = tpu.memref_slice %arg9[%dma_wait3A_14] : memref<1408xi32, #tpu.memory_space<vmem>> -> memref<1408xi32, #tpu.memory_space<vmem>>
    %dma_wait3A_16 = arith.constant 0 : i32
    %dma_wait3A_17 = arith.constant 0 : i32
    %dma_wait3A_18 = tpu.memref_slice %arg13[%dma_wait3A_16, %dma_wait3A_17] : memref<100352x8xf32, #tpu.memory_space<vmem_shared>> -> memref<100352x8xf32, #tpu.memory_space<vmem_shared>>
    tpu.wait_indirect_dma semaphore(%arg17 : memref<!tpu.dma_semaphore, #tpu.memory_space<semaphore_mem>>) src(%dma_wait3A_13 : memref<1408x8xf32, #tpu.memory_space<vmem>>) dst(%dma_wait3A_18 : memref<100352x8xf32, #tpu.memory_space<vmem_shared>>)
    %dma_wait3A_19 = arith.constant 0 : i32
    %dma_wait3A_20 = arith.constant 0 : i32
    %dma_wait3A_21 = tpu.memref_slice %arg12[%dma_wait3A_19, %dma_wait3A_20] : memref<1408x8xf32, #tpu.memory_space<vmem>> -> memref<1408x8xf32, #tpu.memory_space<vmem>>
    %dma_wait3A_22 = arith.constant 0 : i32
    %dma_wait3A_23 = tpu.memref_slice %arg10[%dma_wait3A_22] : memref<1408xi32, #tpu.memory_space<vmem>> -> memref<1408xi32, #tpu.memory_space<vmem>>
    %dma_wait3A_24 = arith.constant 0 : i32
    %dma_wait3A_25 = arith.constant 0 : i32
    %dma_wait3A_26 = tpu.memref_slice %arg13[%dma_wait3A_24, %dma_wait3A_25] : memref<100352x8xf32, #tpu.memory_space<vmem_shared>> -> memref<100352x8xf32, #tpu.memory_space<vmem_shared>>
    tpu.wait_indirect_dma semaphore(%arg18 : memref<!tpu.dma_semaphore, #tpu.memory_space<semaphore_mem>>) src(%dma_wait3A_21 : memref<1408x8xf32, #tpu.memory_space<vmem>>) dst(%dma_wait3A_26 : memref<100352x8xf32, #tpu.memory_space<vmem_shared>>)
    %barrier3A_27 = arith.constant 0 : index
    tpu.barrier barrier_id(%barrier3A_27)
    %mul3A_28 = arith.constant 6272 : i32
    %mul3A_29 = arith.muli %arg1, %mul3A_28 : i32
    %mul3A_30 = arith.constant 100352 : i32
    %mul3A_31 = arith.muli %arg0, %mul3A_30 : i32
    %mul3A_32 = arith.constant 6272 : i32
    %mul3A_33 = arith.muli %arg1, %mul3A_32 : i32
    %add3A = arith.addi %mul3A_31, %mul3A_33 : i32
    "tpu.region"() ({
      %run_scoped3A = tpu.sem_alloc : memref<!tpu.dma_semaphore, #tpu.memory_space<semaphore_mem>>
      %dma_start3A = arith.constant 0 : i32
      %dma_start3A_34 = tpu.memref_slice %arg6[%add3A, %dma_start3A] : memref<200704x8xf32, #tpu.memory_space<hbm>> -> memref<6272x8xf32, #tpu.memory_space<hbm>>
      %dma_start3A_35 = arith.constant 0 : i32
      %dma_start3A_36 = tpu.memref_slice %arg13[%mul3A_29, %dma_start3A_35] : memref<100352x8xf32, #tpu.memory_space<vmem_shared>> -> memref<6272x8xf32, #tpu.memory_space<vmem_shared>>
      tpu.enqueue_dma source(%dma_start3A_36 : memref<6272x8xf32, #tpu.memory_space<vmem_shared>>) target(%dma_start3A_34 : memref<6272x8xf32, #tpu.memory_space<hbm>>) target_semaphore(%run_scoped3A : memref<!tpu.dma_semaphore, #tpu.memory_space<semaphore_mem>>)
      %dma_wait3A_37 = arith.constant 0 : i32
      %dma_wait3A_38 = tpu.memref_slice %arg6[%add3A, %dma_wait3A_37] : memref<200704x8xf32, #tpu.memory_space<hbm>> -> memref<6272x8xf32, #tpu.memory_space<hbm>>
      %dma_wait3A_39 = arith.constant 0 : i32
      %dma_wait3A_40 = tpu.memref_slice %arg13[%mul3A_29, %dma_wait3A_39] : memref<100352x8xf32, #tpu.memory_space<vmem_shared>> -> memref<6272x8xf32, #tpu.memory_space<vmem_shared>>
      tpu.wait_dma2 semaphore(%run_scoped3A : memref<!tpu.dma_semaphore, #tpu.memory_space<semaphore_mem>>) src(%dma_wait3A_40 : memref<6272x8xf32, #tpu.memory_space<vmem_shared>>) dst(%dma_wait3A_38 : memref<6272x8xf32, #tpu.memory_space<hbm>>)
      tpu.yield
    }) : () -> ()
    return
  }
}

#map = affine_map<(d0, d1) -> (0)>
module attributes {stable_mosaic.version = 14 : i64} {
  func.func @deg_kernel(%arg0: i32, %arg1: i32, %arg2: memref<3244032xi32, #tpu.memory_space<hbm>>, %arg3: memref<1536xf32, #tpu.memory_space<hbm>>, %arg4: memref<6272xf32, #tpu.memory_space<hbm>>, %arg5: memref<200704xf32, #tpu.memory_space<hbm>>, %arg6: memref<1536xi32, #tpu.memory_space<vmem>>, %arg7: memref<1536xi32, #tpu.memory_space<vmem>>, %arg8: memref<1536xf32, #tpu.memory_space<vmem>>, %arg9: memref<100352xf32, #tpu.memory_space<vmem_shared>>, %arg10: memref<!tpu.dma_semaphore, #tpu.memory_space<semaphore_mem>>, %arg11: memref<!tpu.dma_semaphore, #tpu.memory_space<semaphore_mem>>) attributes {dimension_semantics = [#tpu.dimension_semantics<core_parallel>, #tpu.dimension_semantics<subcore_parallel>], iteration_bounds = array<i64: 2, 16>, scalar_prefetch = 0 : i64, scratch_operands = 6 : i64, tpu.core_type = #tpu.core_type<sc_vector_subcore>, window_params = [{transform_indices = #map}, {transform_indices = #map}, {transform_indices = #map}, {transform_indices = #map}]} {
    %mul3A = arith.constant 16 : i32
    %mul3A_0 = arith.muli %arg0, %mul3A : i32
    %add3A = arith.addi %mul3A_0, %arg1 : i32
    "tpu.region"() ({
      %run_scoped3A = tpu.sem_alloc : memref<!tpu.dma_semaphore, #tpu.memory_space<semaphore_mem>>
      tpu.enqueue_dma source(%arg3 : memref<1536xf32, #tpu.memory_space<hbm>>) target(%arg8 : memref<1536xf32, #tpu.memory_space<vmem>>) target_semaphore(%run_scoped3A : memref<!tpu.dma_semaphore, #tpu.memory_space<semaphore_mem>>)
      tpu.wait_dma2 semaphore(%run_scoped3A : memref<!tpu.dma_semaphore, #tpu.memory_space<semaphore_mem>>) src(%arg3 : memref<1536xf32, #tpu.memory_space<hbm>>) dst(%arg8 : memref<1536xf32, #tpu.memory_space<vmem>>)
      tpu.yield
    }) : () -> ()
    %mul3A_1 = arith.constant 6272 : i32
    %mul3A_2 = arith.muli %arg1, %mul3A_1 : i32
    "tpu.region"() ({
      %run_scoped3A = tpu.sem_alloc : memref<!tpu.dma_semaphore, #tpu.memory_space<semaphore_mem>>
      %dma_start3A = tpu.memref_slice %arg9[%mul3A_2] : memref<100352xf32, #tpu.memory_space<vmem_shared>> -> memref<6272xf32, #tpu.memory_space<vmem_shared>>
      tpu.enqueue_dma source(%arg4 : memref<6272xf32, #tpu.memory_space<hbm>>) target(%dma_start3A : memref<6272xf32, #tpu.memory_space<vmem_shared>>) target_semaphore(%run_scoped3A : memref<!tpu.dma_semaphore, #tpu.memory_space<semaphore_mem>>)
      %dma_wait3A_25 = tpu.memref_slice %arg9[%mul3A_2] : memref<100352xf32, #tpu.memory_space<vmem_shared>> -> memref<6272xf32, #tpu.memory_space<vmem_shared>>
      tpu.wait_dma2 semaphore(%run_scoped3A : memref<!tpu.dma_semaphore, #tpu.memory_space<semaphore_mem>>) src(%arg4 : memref<6272xf32, #tpu.memory_space<hbm>>) dst(%dma_wait3A_25 : memref<6272xf32, #tpu.memory_space<vmem_shared>>)
      tpu.yield
    }) : () -> ()
    %barrier3A = arith.constant 0 : index
    tpu.barrier barrier_id(%barrier3A)
    %mul3A_3 = arith.constant 101376 : i32
    %mul3A_4 = arith.muli %add3A, %mul3A_3 : i32
    %scan3A = arith.constant 0 : i32
    %scan3A_5 = arith.constant 0 : i32
    %scan3A_6 = arith.constant 33 : i32
    %scan3A_7 = arith.addi %scan3A_5, %scan3A_6 : i32
    %scan3A_8 = arith.constant 1 : i32
    scf.for %scan3A_25 = %scan3A_5 to %scan3A_7 step %scan3A_8  : i32 {
      %gt3A = arith.constant 0 : i32
      %gt3A_26 = arith.cmpi sgt, %scan3A_25, %gt3A : i32
      %convert_element_type3A = arith.extui %gt3A_26 : i1 to i32
      %cond3A = arith.constant 0 : i32
      %cond3A_27 = arith.cmpi ne, %convert_element_type3A, %cond3A : i32
      scf.if %cond3A_27 {
        %dma_wait3A_54 = arith.constant 0 : i32
        %dma_wait3A_55 = tpu.memref_slice %arg6[%dma_wait3A_54] : memref<1536xi32, #tpu.memory_space<vmem>> -> memref<1536xi32, #tpu.memory_space<vmem>>
        %dma_wait3A_56 = arith.constant 0 : i32
        %dma_wait3A_57 = tpu.memref_slice %arg9[%dma_wait3A_56] : memref<100352xf32, #tpu.memory_space<vmem_shared>> -> memref<100352xf32, #tpu.memory_space<vmem_shared>>
        tpu.wait_indirect_dma semaphore(%arg10 : memref<!tpu.dma_semaphore, #tpu.memory_space<semaphore_mem>>) src(%arg8 : memref<1536xf32, #tpu.memory_space<vmem>>) dst(%dma_wait3A_57 : memref<100352xf32, #tpu.memory_space<vmem_shared>>)
      } else {
      }
      %mul3A_28 = arith.constant 2 : i32
      %mul3A_29 = arith.muli %mul3A_28, %scan3A_25 : i32
      %add3A_30 = arith.constant 0 : i32
      %add3A_31 = arith.addi %mul3A_29, %add3A_30 : i32
      %mul3A_32 = arith.constant 1536 : i32
      %mul3A_33 = arith.muli %add3A_31, %mul3A_32 : i32
      %add3A_34 = arith.addi %mul3A_4, %mul3A_33 : i32
      "tpu.region"() ({
        %run_scoped3A = tpu.sem_alloc : memref<!tpu.dma_semaphore, #tpu.memory_space<semaphore_mem>>
        %dma_start3A_54 = tpu.memref_slice %arg2[%add3A_34] : memref<3244032xi32, #tpu.memory_space<hbm>> -> memref<1536xi32, #tpu.memory_space<hbm>>
        %dma_start3A_55 = tpu.memref_slice %arg2[%add3A_34] : memref<3244032xi32, #tpu.memory_space<hbm>> -> memref<1536xi32, #tpu.memory_space<hbm>>
        tpu.enqueue_dma source(%dma_start3A_55 : memref<1536xi32, #tpu.memory_space<hbm>>) target(%arg6 : memref<1536xi32, #tpu.memory_space<vmem>>) target_semaphore(%run_scoped3A : memref<!tpu.dma_semaphore, #tpu.memory_space<semaphore_mem>>)
        %dma_wait3A_56 = tpu.memref_slice %arg2[%add3A_34] : memref<3244032xi32, #tpu.memory_space<hbm>> -> memref<1536xi32, #tpu.memory_space<hbm>>
        %dma_wait3A_57 = tpu.memref_slice %arg2[%add3A_34] : memref<3244032xi32, #tpu.memory_space<hbm>> -> memref<1536xi32, #tpu.memory_space<hbm>>
        tpu.wait_dma2 semaphore(%run_scoped3A : memref<!tpu.dma_semaphore, #tpu.memory_space<semaphore_mem>>) src(%dma_wait3A_57 : memref<1536xi32, #tpu.memory_space<hbm>>) dst(%arg6 : memref<1536xi32, #tpu.memory_space<vmem>>)
        tpu.yield
      }) : () -> ()
      %dma_start3A = arith.constant 0 : i32
      %dma_start3A_35 = tpu.memref_slice %arg6[%dma_start3A] : memref<1536xi32, #tpu.memory_space<vmem>> -> memref<1536xi32, #tpu.memory_space<vmem>>
      %dma_start3A_36 = arith.constant 0 : i32
      %dma_start3A_37 = tpu.memref_slice %arg9[%dma_start3A_36] : memref<100352xf32, #tpu.memory_space<vmem_shared>> -> memref<100352xf32, #tpu.memory_space<vmem_shared>>
      tpu.enqueue_indirect_dma source(%arg8 : memref<1536xf32, #tpu.memory_space<vmem>>) target(%dma_start3A_37 : memref<100352xf32, #tpu.memory_space<vmem_shared>>) offsets(%dma_start3A_35 : memref<1536xi32, #tpu.memory_space<vmem>>) semaphore(%arg10 : memref<!tpu.dma_semaphore, #tpu.memory_space<semaphore_mem>>) {add = true}
      %gt3A_38 = arith.constant 0 : i32
      %gt3A_39 = arith.cmpi sgt, %scan3A_25, %gt3A_38 : i32
      %convert_element_type3A_40 = arith.extui %gt3A_39 : i1 to i32
      %cond3A_41 = arith.constant 0 : i32
      %cond3A_42 = arith.cmpi ne, %convert_element_type3A_40, %cond3A_41 : i32
      scf.if %cond3A_42 {
        %dma_wait3A_54 = arith.constant 0 : i32
        %dma_wait3A_55 = tpu.memref_slice %arg7[%dma_wait3A_54] : memref<1536xi32, #tpu.memory_space<vmem>> -> memref<1536xi32, #tpu.memory_space<vmem>>
        %dma_wait3A_56 = arith.constant 0 : i32
        %dma_wait3A_57 = tpu.memref_slice %arg9[%dma_wait3A_56] : memref<100352xf32, #tpu.memory_space<vmem_shared>> -> memref<100352xf32, #tpu.memory_space<vmem_shared>>
        tpu.wait_indirect_dma semaphore(%arg11 : memref<!tpu.dma_semaphore, #tpu.memory_space<semaphore_mem>>) src(%arg8 : memref<1536xf32, #tpu.memory_space<vmem>>) dst(%dma_wait3A_57 : memref<100352xf32, #tpu.memory_space<vmem_shared>>)
      } else {
      }
      %mul3A_43 = arith.constant 2 : i32
      %mul3A_44 = arith.muli %mul3A_43, %scan3A_25 : i32
      %add3A_45 = arith.constant 1 : i32
      %add3A_46 = arith.addi %mul3A_44, %add3A_45 : i32
      %mul3A_47 = arith.constant 1536 : i32
      %mul3A_48 = arith.muli %add3A_46, %mul3A_47 : i32
      %add3A_49 = arith.addi %mul3A_4, %mul3A_48 : i32
      "tpu.region"() ({
        %run_scoped3A = tpu.sem_alloc : memref<!tpu.dma_semaphore, #tpu.memory_space<semaphore_mem>>
        %dma_start3A_54 = tpu.memref_slice %arg2[%add3A_49] : memref<3244032xi32, #tpu.memory_space<hbm>> -> memref<1536xi32, #tpu.memory_space<hbm>>
        %dma_start3A_55 = tpu.memref_slice %arg2[%add3A_49] : memref<3244032xi32, #tpu.memory_space<hbm>> -> memref<1536xi32, #tpu.memory_space<hbm>>
        tpu.enqueue_dma source(%dma_start3A_55 : memref<1536xi32, #tpu.memory_space<hbm>>) target(%arg7 : memref<1536xi32, #tpu.memory_space<vmem>>) target_semaphore(%run_scoped3A : memref<!tpu.dma_semaphore, #tpu.memory_space<semaphore_mem>>)
        %dma_wait3A_56 = tpu.memref_slice %arg2[%add3A_49] : memref<3244032xi32, #tpu.memory_space<hbm>> -> memref<1536xi32, #tpu.memory_space<hbm>>
        %dma_wait3A_57 = tpu.memref_slice %arg2[%add3A_49] : memref<3244032xi32, #tpu.memory_space<hbm>> -> memref<1536xi32, #tpu.memory_space<hbm>>
        tpu.wait_dma2 semaphore(%run_scoped3A : memref<!tpu.dma_semaphore, #tpu.memory_space<semaphore_mem>>) src(%dma_wait3A_57 : memref<1536xi32, #tpu.memory_space<hbm>>) dst(%arg7 : memref<1536xi32, #tpu.memory_space<vmem>>)
        tpu.yield
      }) : () -> ()
      %dma_start3A_50 = arith.constant 0 : i32
      %dma_start3A_51 = tpu.memref_slice %arg7[%dma_start3A_50] : memref<1536xi32, #tpu.memory_space<vmem>> -> memref<1536xi32, #tpu.memory_space<vmem>>
      %dma_start3A_52 = arith.constant 0 : i32
      %dma_start3A_53 = tpu.memref_slice %arg9[%dma_start3A_52] : memref<100352xf32, #tpu.memory_space<vmem_shared>> -> memref<100352xf32, #tpu.memory_space<vmem_shared>>
      tpu.enqueue_indirect_dma source(%arg8 : memref<1536xf32, #tpu.memory_space<vmem>>) target(%dma_start3A_53 : memref<100352xf32, #tpu.memory_space<vmem_shared>>) offsets(%dma_start3A_51 : memref<1536xi32, #tpu.memory_space<vmem>>) semaphore(%arg11 : memref<!tpu.dma_semaphore, #tpu.memory_space<semaphore_mem>>) {add = true}
    }
    %scan3A_9 = arith.constant 33 : i32
    %dma_wait3A = arith.constant 0 : i32
    %dma_wait3A_10 = tpu.memref_slice %arg6[%dma_wait3A] : memref<1536xi32, #tpu.memory_space<vmem>> -> memref<1536xi32, #tpu.memory_space<vmem>>
    %dma_wait3A_11 = arith.constant 0 : i32
    %dma_wait3A_12 = tpu.memref_slice %arg9[%dma_wait3A_11] : memref<100352xf32, #tpu.memory_space<vmem_shared>> -> memref<100352xf32, #tpu.memory_space<vmem_shared>>
    tpu.wait_indirect_dma semaphore(%arg10 : memref<!tpu.dma_semaphore, #tpu.memory_space<semaphore_mem>>) src(%arg8 : memref<1536xf32, #tpu.memory_space<vmem>>) dst(%dma_wait3A_12 : memref<100352xf32, #tpu.memory_space<vmem_shared>>)
    %dma_wait3A_13 = arith.constant 0 : i32
    %dma_wait3A_14 = tpu.memref_slice %arg7[%dma_wait3A_13] : memref<1536xi32, #tpu.memory_space<vmem>> -> memref<1536xi32, #tpu.memory_space<vmem>>
    %dma_wait3A_15 = arith.constant 0 : i32
    %dma_wait3A_16 = tpu.memref_slice %arg9[%dma_wait3A_15] : memref<100352xf32, #tpu.memory_space<vmem_shared>> -> memref<100352xf32, #tpu.memory_space<vmem_shared>>
    tpu.wait_indirect_dma semaphore(%arg11 : memref<!tpu.dma_semaphore, #tpu.memory_space<semaphore_mem>>) src(%arg8 : memref<1536xf32, #tpu.memory_space<vmem>>) dst(%dma_wait3A_16 : memref<100352xf32, #tpu.memory_space<vmem_shared>>)
    %barrier3A_17 = arith.constant 0 : index
    tpu.barrier barrier_id(%barrier3A_17)
    %mul3A_18 = arith.constant 6272 : i32
    %mul3A_19 = arith.muli %arg1, %mul3A_18 : i32
    %mul3A_20 = arith.constant 100352 : i32
    %mul3A_21 = arith.muli %arg0, %mul3A_20 : i32
    %mul3A_22 = arith.constant 6272 : i32
    %mul3A_23 = arith.muli %arg1, %mul3A_22 : i32
    %add3A_24 = arith.addi %mul3A_21, %mul3A_23 : i32
    "tpu.region"() ({
      %run_scoped3A = tpu.sem_alloc : memref<!tpu.dma_semaphore, #tpu.memory_space<semaphore_mem>>
      %dma_start3A = tpu.memref_slice %arg5[%add3A_24] : memref<200704xf32, #tpu.memory_space<hbm>> -> memref<6272xf32, #tpu.memory_space<hbm>>
      %dma_start3A_25 = tpu.memref_slice %arg9[%mul3A_19] : memref<100352xf32, #tpu.memory_space<vmem_shared>> -> memref<6272xf32, #tpu.memory_space<vmem_shared>>
      tpu.enqueue_dma source(%dma_start3A_25 : memref<6272xf32, #tpu.memory_space<vmem_shared>>) target(%dma_start3A : memref<6272xf32, #tpu.memory_space<hbm>>) target_semaphore(%run_scoped3A : memref<!tpu.dma_semaphore, #tpu.memory_space<semaphore_mem>>)
      %dma_wait3A_26 = tpu.memref_slice %arg5[%add3A_24] : memref<200704xf32, #tpu.memory_space<hbm>> -> memref<6272xf32, #tpu.memory_space<hbm>>
      %dma_wait3A_27 = tpu.memref_slice %arg9[%mul3A_19] : memref<100352xf32, #tpu.memory_space<vmem_shared>> -> memref<6272xf32, #tpu.memory_space<vmem_shared>>
      tpu.wait_dma2 semaphore(%run_scoped3A : memref<!tpu.dma_semaphore, #tpu.memory_space<semaphore_mem>>) src(%dma_wait3A_27 : memref<6272xf32, #tpu.memory_space<vmem_shared>>) dst(%dma_wait3A_26 : memref<6272xf32, #tpu.memory_space<hbm>>)
      tpu.yield
    }) : () -> ()
    return
  }
}

#map = affine_map<(d0, d1) -> (0)>
#map1 = affine_map<(d0, d1) -> (0, 0)>
module attributes {stable_mosaic.version = 14 : i64} {
  func.func @prop_kernel(%arg0: i32, %arg1: i32, %arg2: memref<3244032xi32, #tpu.memory_space<hbm>>, %arg3: memref<3244032xi32, #tpu.memory_space<hbm>>, %arg4: memref<100352x8xf32, #tpu.memory_space<hbm>>, %arg5: memref<6272x8xf32, #tpu.memory_space<hbm>>, %arg6: memref<200704x8xf32, #tpu.memory_space<hbm>>, %arg7: memref<1408xi32, #tpu.memory_space<vmem>>, %arg8: memref<1408xi32, #tpu.memory_space<vmem>>, %arg9: memref<1408xi32, #tpu.memory_space<vmem>>, %arg10: memref<1408xi32, #tpu.memory_space<vmem>>, %arg11: memref<1408x8xf32, #tpu.memory_space<vmem>>, %arg12: memref<1408x8xf32, #tpu.memory_space<vmem>>, %arg13: memref<100352x8xf32, #tpu.memory_space<vmem_shared>>, %arg14: memref<!tpu.dma_semaphore, #tpu.memory_space<semaphore_mem>>, %arg15: memref<!tpu.dma_semaphore, #tpu.memory_space<semaphore_mem>>, %arg16: memref<!tpu.dma_semaphore, #tpu.memory_space<semaphore_mem>>, %arg17: memref<!tpu.dma_semaphore, #tpu.memory_space<semaphore_mem>>, %arg18: memref<100352x8xf32, #tpu.memory_space<vmem_shared>>) attributes {dimension_semantics = [#tpu.dimension_semantics<core_parallel>, #tpu.dimension_semantics<subcore_parallel>], iteration_bounds = array<i64: 2, 16>, scalar_prefetch = 0 : i64, scratch_operands = 12 : i64, tpu.core_type = #tpu.core_type<sc_vector_subcore>, window_params = [{transform_indices = #map}, {transform_indices = #map}, {transform_indices = #map1}, {transform_indices = #map1}, {transform_indices = #map1}]} {
    %mul3A = arith.constant 16 : i32
    %mul3A_0 = arith.muli %arg0, %mul3A : i32
    %add3A = arith.addi %mul3A_0, %arg1 : i32
    %mul3A_1 = arith.constant 6272 : i32
    %mul3A_2 = arith.muli %arg1, %mul3A_1 : i32
    "tpu.region"() ({
      %run_scoped3A = tpu.sem_alloc : memref<!tpu.dma_semaphore, #tpu.memory_space<semaphore_mem>>
      %dma_start3A = arith.constant 0 : i32
      %dma_start3A_37 = tpu.memref_slice %arg13[%mul3A_2, %dma_start3A] : memref<100352x8xf32, #tpu.memory_space<vmem_shared>> -> memref<6272x8xf32, #tpu.memory_space<vmem_shared>>
      tpu.enqueue_dma source(%arg5 : memref<6272x8xf32, #tpu.memory_space<hbm>>) target(%dma_start3A_37 : memref<6272x8xf32, #tpu.memory_space<vmem_shared>>) target_semaphore(%run_scoped3A : memref<!tpu.dma_semaphore, #tpu.memory_space<semaphore_mem>>)
      %dma_wait3A_38 = arith.constant 0 : i32
      %dma_wait3A_39 = tpu.memref_slice %arg13[%mul3A_2, %dma_wait3A_38] : memref<100352x8xf32, #tpu.memory_space<vmem_shared>> -> memref<6272x8xf32, #tpu.memory_space<vmem_shared>>
      tpu.wait_dma2 semaphore(%run_scoped3A : memref<!tpu.dma_semaphore, #tpu.memory_space<semaphore_mem>>) src(%arg5 : memref<6272x8xf32, #tpu.memory_space<hbm>>) dst(%dma_wait3A_39 : memref<6272x8xf32, #tpu.memory_space<vmem_shared>>)
      tpu.yield
    }) : () -> ()
    %mul3A_3 = arith.constant 6272 : i32
    %mul3A_4 = arith.muli %arg1, %mul3A_3 : i32
    %mul3A_5 = arith.constant 6272 : i32
    %mul3A_6 = arith.muli %arg1, %mul3A_5 : i32
    "tpu.region"() ({
      %run_scoped3A = tpu.sem_alloc : memref<!tpu.dma_semaphore, #tpu.memory_space<semaphore_mem>>
      %dma_start3A = arith.constant 0 : i32
      %dma_start3A_37 = tpu.memref_slice %arg18[%mul3A_6, %dma_start3A] : memref<100352x8xf32, #tpu.memory_space<vmem_shared>> -> memref<6272x8xf32, #tpu.memory_space<vmem_shared>>
      %dma_start3A_38 = arith.constant 0 : i32
      %dma_start3A_39 = tpu.memref_slice %arg4[%mul3A_4, %dma_start3A_38] : memref<100352x8xf32, #tpu.memory_space<hbm>> -> memref<6272x8xf32, #tpu.memory_space<hbm>>
      tpu.enqueue_dma source(%dma_start3A_39 : memref<6272x8xf32, #tpu.memory_space<hbm>>) target(%dma_start3A_37 : memref<6272x8xf32, #tpu.memory_space<vmem_shared>>) target_semaphore(%run_scoped3A : memref<!tpu.dma_semaphore, #tpu.memory_space<semaphore_mem>>)
      %dma_wait3A_40 = arith.constant 0 : i32
      %dma_wait3A_41 = tpu.memref_slice %arg18[%mul3A_6, %dma_wait3A_40] : memref<100352x8xf32, #tpu.memory_space<vmem_shared>> -> memref<6272x8xf32, #tpu.memory_space<vmem_shared>>
      %dma_wait3A_42 = arith.constant 0 : i32
      %dma_wait3A_43 = tpu.memref_slice %arg4[%mul3A_4, %dma_wait3A_42] : memref<100352x8xf32, #tpu.memory_space<hbm>> -> memref<6272x8xf32, #tpu.memory_space<hbm>>
      tpu.wait_dma2 semaphore(%run_scoped3A : memref<!tpu.dma_semaphore, #tpu.memory_space<semaphore_mem>>) src(%dma_wait3A_43 : memref<6272x8xf32, #tpu.memory_space<hbm>>) dst(%dma_wait3A_41 : memref<6272x8xf32, #tpu.memory_space<vmem_shared>>)
      tpu.yield
    }) : () -> ()
    %barrier3A = arith.constant 0 : index
    tpu.barrier barrier_id(%barrier3A)
    %mul3A_7 = arith.constant 101376 : i32
    %mul3A_8 = arith.muli %add3A, %mul3A_7 : i32
    %scan3A = arith.constant 0 : i32
    %scan3A_9 = arith.constant 0 : i32
    %scan3A_10 = arith.constant 36 : i32
    %scan3A_11 = arith.addi %scan3A_9, %scan3A_10 : i32
    %scan3A_12 = arith.constant 1 : i32
    scf.for %scan3A_37 = %scan3A_9 to %scan3A_11 step %scan3A_12  : i32 {
      %gt3A = arith.constant 0 : i32
      %gt3A_38 = arith.cmpi sgt, %scan3A_37, %gt3A : i32
      %convert_element_type3A = arith.extui %gt3A_38 : i1 to i32
      %cond3A = arith.constant 0 : i32
      %cond3A_39 = arith.cmpi ne, %convert_element_type3A, %cond3A : i32
      scf.if %cond3A_39 {
        %dma_wait3A_106 = arith.constant 0 : i32
        %dma_wait3A_107 = arith.constant 0 : i32
        %dma_wait3A_108 = tpu.memref_slice %arg11[%dma_wait3A_106, %dma_wait3A_107] : memref<1408x8xf32, #tpu.memory_space<vmem>> -> memref<1408x8xf32, #tpu.memory_space<vmem>>
        %dma_wait3A_109 = arith.constant 0 : i32
        %dma_wait3A_110 = tpu.memref_slice %arg9[%dma_wait3A_109] : memref<1408xi32, #tpu.memory_space<vmem>> -> memref<1408xi32, #tpu.memory_space<vmem>>
        %dma_wait3A_111 = arith.constant 0 : i32
        %dma_wait3A_112 = arith.constant 0 : i32
        %dma_wait3A_113 = tpu.memref_slice %arg13[%dma_wait3A_111, %dma_wait3A_112] : memref<100352x8xf32, #tpu.memory_space<vmem_shared>> -> memref<100352x8xf32, #tpu.memory_space<vmem_shared>>
        tpu.wait_indirect_dma semaphore(%arg16 : memref<!tpu.dma_semaphore, #tpu.memory_space<semaphore_mem>>) src(%dma_wait3A_108 : memref<1408x8xf32, #tpu.memory_space<vmem>>) dst(%dma_wait3A_113 : memref<100352x8xf32, #tpu.memory_space<vmem_shared>>)
      } else {
      }
      %mul3A_40 = arith.constant 2 : i32
      %mul3A_41 = arith.muli %mul3A_40, %scan3A_37 : i32
      %add3A_42 = arith.constant 0 : i32
      %add3A_43 = arith.addi %mul3A_41, %add3A_42 : i32
      %mul3A_44 = arith.constant 1408 : i32
      %mul3A_45 = arith.muli %add3A_43, %mul3A_44 : i32
      %add3A_46 = arith.addi %mul3A_8, %mul3A_45 : i32
      "tpu.region"() ({
        %run_scoped3A = tpu.sem_alloc : memref<!tpu.dma_semaphore, #tpu.memory_space<semaphore_mem>>
        %dma_start3A_106 = tpu.memref_slice %arg2[%add3A_46] : memref<3244032xi32, #tpu.memory_space<hbm>> -> memref<1408xi32, #tpu.memory_space<hbm>>
        %dma_start3A_107 = tpu.memref_slice %arg2[%add3A_46] : memref<3244032xi32, #tpu.memory_space<hbm>> -> memref<1408xi32, #tpu.memory_space<hbm>>
        tpu.enqueue_dma source(%dma_start3A_107 : memref<1408xi32, #tpu.memory_space<hbm>>) target(%arg7 : memref<1408xi32, #tpu.memory_space<vmem>>) target_semaphore(%run_scoped3A : memref<!tpu.dma_semaphore, #tpu.memory_space<semaphore_mem>>)
        %dma_wait3A_108 = tpu.memref_slice %arg2[%add3A_46] : memref<3244032xi32, #tpu.memory_space<hbm>> -> memref<1408xi32, #tpu.memory_space<hbm>>
        %dma_wait3A_109 = tpu.memref_slice %arg2[%add3A_46] : memref<3244032xi32, #tpu.memory_space<hbm>> -> memref<1408xi32, #tpu.memory_space<hbm>>
        tpu.wait_dma2 semaphore(%run_scoped3A : memref<!tpu.dma_semaphore, #tpu.memory_space<semaphore_mem>>) src(%dma_wait3A_109 : memref<1408xi32, #tpu.memory_space<hbm>>) dst(%arg7 : memref<1408xi32, #tpu.memory_space<vmem>>)
        tpu.yield
      }) : () -> ()
      "tpu.region"() ({
        %run_scoped3A = tpu.sem_alloc : memref<!tpu.dma_semaphore, #tpu.memory_space<semaphore_mem>>
        %dma_start3A_106 = tpu.memref_slice %arg3[%add3A_46] : memref<3244032xi32, #tpu.memory_space<hbm>> -> memref<1408xi32, #tpu.memory_space<hbm>>
        %dma_start3A_107 = tpu.memref_slice %arg3[%add3A_46] : memref<3244032xi32, #tpu.memory_space<hbm>> -> memref<1408xi32, #tpu.memory_space<hbm>>
        tpu.enqueue_dma source(%dma_start3A_107 : memref<1408xi32, #tpu.memory_space<hbm>>) target(%arg9 : memref<1408xi32, #tpu.memory_space<vmem>>) target_semaphore(%run_scoped3A : memref<!tpu.dma_semaphore, #tpu.memory_space<semaphore_mem>>)
        %dma_wait3A_108 = tpu.memref_slice %arg3[%add3A_46] : memref<3244032xi32, #tpu.memory_space<hbm>> -> memref<1408xi32, #tpu.memory_space<hbm>>
        %dma_wait3A_109 = tpu.memref_slice %arg3[%add3A_46] : memref<3244032xi32, #tpu.memory_space<hbm>> -> memref<1408xi32, #tpu.memory_space<hbm>>
        tpu.wait_dma2 semaphore(%run_scoped3A : memref<!tpu.dma_semaphore, #tpu.memory_space<semaphore_mem>>) src(%dma_wait3A_109 : memref<1408xi32, #tpu.memory_space<hbm>>) dst(%arg9 : memref<1408xi32, #tpu.memory_space<vmem>>)
        tpu.yield
      }) : () -> ()
      %dma_start3A = arith.constant 0 : i32
      %dma_start3A_47 = arith.constant 0 : i32
      %dma_start3A_48 = tpu.memref_slice %arg11[%dma_start3A, %dma_start3A_47] : memref<1408x8xf32, #tpu.memory_space<vmem>> -> memref<1408x8xf32, #tpu.memory_space<vmem>>
      %dma_start3A_49 = arith.constant 0 : i32
      %dma_start3A_50 = tpu.memref_slice %arg7[%dma_start3A_49] : memref<1408xi32, #tpu.memory_space<vmem>> -> memref<1408xi32, #tpu.memory_space<vmem>>
      %dma_start3A_51 = arith.constant 0 : i32
      %dma_start3A_52 = arith.constant 0 : i32
      %dma_start3A_53 = tpu.memref_slice %arg18[%dma_start3A_51, %dma_start3A_52] : memref<100352x8xf32, #tpu.memory_space<vmem_shared>> -> memref<100352x8xf32, #tpu.memory_space<vmem_shared>>
      tpu.enqueue_indirect_dma source(%dma_start3A_53 : memref<100352x8xf32, #tpu.memory_space<vmem_shared>>) target(%dma_start3A_48 : memref<1408x8xf32, #tpu.memory_space<vmem>>) offsets(%dma_start3A_50 : memref<1408xi32, #tpu.memory_space<vmem>>) semaphore(%arg14 : memref<!tpu.dma_semaphore, #tpu.memory_space<semaphore_mem>>)
      %dma_wait3A_54 = arith.constant 0 : i32
      %dma_wait3A_55 = arith.constant 0 : i32
      %dma_wait3A_56 = tpu.memref_slice %arg11[%dma_wait3A_54, %dma_wait3A_55] : memref<1408x8xf32, #tpu.memory_space<vmem>> -> memref<1408x8xf32, #tpu.memory_space<vmem>>
      %dma_wait3A_57 = arith.constant 0 : i32
      %dma_wait3A_58 = tpu.memref_slice %arg7[%dma_wait3A_57] : memref<1408xi32, #tpu.memory_space<vmem>> -> memref<1408xi32, #tpu.memory_space<vmem>>
      %dma_wait3A_59 = arith.constant 0 : i32
      %dma_wait3A_60 = arith.constant 0 : i32
      %dma_wait3A_61 = tpu.memref_slice %arg18[%dma_wait3A_59, %dma_wait3A_60] : memref<100352x8xf32, #tpu.memory_space<vmem_shared>> -> memref<100352x8xf32, #tpu.memory_space<vmem_shared>>
      tpu.wait_indirect_dma semaphore(%arg14 : memref<!tpu.dma_semaphore, #tpu.memory_space<semaphore_mem>>) src(%dma_wait3A_61 : memref<100352x8xf32, #tpu.memory_space<vmem_shared>>) dst(%dma_wait3A_56 : memref<1408x8xf32, #tpu.memory_space<vmem>>)
      %dma_start3A_62 = arith.constant 0 : i32
      %dma_start3A_63 = arith.constant 0 : i32
      %dma_start3A_64 = tpu.memref_slice %arg11[%dma_start3A_62, %dma_start3A_63] : memref<1408x8xf32, #tpu.memory_space<vmem>> -> memref<1408x8xf32, #tpu.memory_space<vmem>>
      %dma_start3A_65 = arith.constant 0 : i32
      %dma_start3A_66 = tpu.memref_slice %arg9[%dma_start3A_65] : memref<1408xi32, #tpu.memory_space<vmem>> -> memref<1408xi32, #tpu.memory_space<vmem>>
      %dma_start3A_67 = arith.constant 0 : i32
      %dma_start3A_68 = arith.constant 0 : i32
      %dma_start3A_69 = tpu.memref_slice %arg13[%dma_start3A_67, %dma_start3A_68] : memref<100352x8xf32, #tpu.memory_space<vmem_shared>> -> memref<100352x8xf32, #tpu.memory_space<vmem_shared>>
      tpu.enqueue_indirect_dma source(%dma_start3A_64 : memref<1408x8xf32, #tpu.memory_space<vmem>>) target(%dma_start3A_69 : memref<100352x8xf32, #tpu.memory_space<vmem_shared>>) offsets(%dma_start3A_66 : memref<1408xi32, #tpu.memory_space<vmem>>) semaphore(%arg16 : memref<!tpu.dma_semaphore, #tpu.memory_space<semaphore_mem>>) {add = true}
      %gt3A_70 = arith.constant 0 : i32
      %gt3A_71 = arith.cmpi sgt, %scan3A_37, %gt3A_70 : i32
      %convert_element_type3A_72 = arith.extui %gt3A_71 : i1 to i32
      %cond3A_73 = arith.constant 0 : i32
      %cond3A_74 = arith.cmpi ne, %convert_element_type3A_72, %cond3A_73 : i32
      scf.if %cond3A_74 {
        %dma_wait3A_106 = arith.constant 0 : i32
        %dma_wait3A_107 = arith.constant 0 : i32
        %dma_wait3A_108 = tpu.memref_slice %arg12[%dma_wait3A_106, %dma_wait3A_107] : memref<1408x8xf32, #tpu.memory_space<vmem>> -> memref<1408x8xf32, #tpu.memory_space<vmem>>
        %dma_wait3A_109 = arith.constant 0 : i32
        %dma_wait3A_110 = tpu.memref_slice %arg10[%dma_wait3A_109] : memref<1408xi32, #tpu.memory_space<vmem>> -> memref<1408xi32, #tpu.memory_space<vmem>>
        %dma_wait3A_111 = arith.constant 0 : i32
        %dma_wait3A_112 = arith.constant 0 : i32
        %dma_wait3A_113 = tpu.memref_slice %arg13[%dma_wait3A_111, %dma_wait3A_112] : memref<100352x8xf32, #tpu.memory_space<vmem_shared>> -> memref<100352x8xf32, #tpu.memory_space<vmem_shared>>
        tpu.wait_indirect_dma semaphore(%arg17 : memref<!tpu.dma_semaphore, #tpu.memory_space<semaphore_mem>>) src(%dma_wait3A_108 : memref<1408x8xf32, #tpu.memory_space<vmem>>) dst(%dma_wait3A_113 : memref<100352x8xf32, #tpu.memory_space<vmem_shared>>)
      } else {
      }
      %mul3A_75 = arith.constant 2 : i32
      %mul3A_76 = arith.muli %mul3A_75, %scan3A_37 : i32
      %add3A_77 = arith.constant 1 : i32
      %add3A_78 = arith.addi %mul3A_76, %add3A_77 : i32
      %mul3A_79 = arith.constant 1408 : i32
      %mul3A_80 = arith.muli %add3A_78, %mul3A_79 : i32
      %add3A_81 = arith.addi %mul3A_8, %mul3A_80 : i32
      "tpu.region"() ({
        %run_scoped3A = tpu.sem_alloc : memref<!tpu.dma_semaphore, #tpu.memory_space<semaphore_mem>>
        %dma_start3A_106 = tpu.memref_slice %arg2[%add3A_81] : memref<3244032xi32, #tpu.memory_space<hbm>> -> memref<1408xi32, #tpu.memory_space<hbm>>
        %dma_start3A_107 = tpu.memref_slice %arg2[%add3A_81] : memref<3244032xi32, #tpu.memory_space<hbm>> -> memref<1408xi32, #tpu.memory_space<hbm>>
        tpu.enqueue_dma source(%dma_start3A_107 : memref<1408xi32, #tpu.memory_space<hbm>>) target(%arg8 : memref<1408xi32, #tpu.memory_space<vmem>>) target_semaphore(%run_scoped3A : memref<!tpu.dma_semaphore, #tpu.memory_space<semaphore_mem>>)
        %dma_wait3A_108 = tpu.memref_slice %arg2[%add3A_81] : memref<3244032xi32, #tpu.memory_space<hbm>> -> memref<1408xi32, #tpu.memory_space<hbm>>
        %dma_wait3A_109 = tpu.memref_slice %arg2[%add3A_81] : memref<3244032xi32, #tpu.memory_space<hbm>> -> memref<1408xi32, #tpu.memory_space<hbm>>
        tpu.wait_dma2 semaphore(%run_scoped3A : memref<!tpu.dma_semaphore, #tpu.memory_space<semaphore_mem>>) src(%dma_wait3A_109 : memref<1408xi32, #tpu.memory_space<hbm>>) dst(%arg8 : memref<1408xi32, #tpu.memory_space<vmem>>)
        tpu.yield
      }) : () -> ()
      "tpu.region"() ({
        %run_scoped3A = tpu.sem_alloc : memref<!tpu.dma_semaphore, #tpu.memory_space<semaphore_mem>>
        %dma_start3A_106 = tpu.memref_slice %arg3[%add3A_81] : memref<3244032xi32, #tpu.memory_space<hbm>> -> memref<1408xi32, #tpu.memory_space<hbm>>
        %dma_start3A_107 = tpu.memref_slice %arg3[%add3A_81] : memref<3244032xi32, #tpu.memory_space<hbm>> -> memref<1408xi32, #tpu.memory_space<hbm>>
        tpu.enqueue_dma source(%dma_start3A_107 : memref<1408xi32, #tpu.memory_space<hbm>>) target(%arg10 : memref<1408xi32, #tpu.memory_space<vmem>>) target_semaphore(%run_scoped3A : memref<!tpu.dma_semaphore, #tpu.memory_space<semaphore_mem>>)
        %dma_wait3A_108 = tpu.memref_slice %arg3[%add3A_81] : memref<3244032xi32, #tpu.memory_space<hbm>> -> memref<1408xi32, #tpu.memory_space<hbm>>
        %dma_wait3A_109 = tpu.memref_slice %arg3[%add3A_81] : memref<3244032xi32, #tpu.memory_space<hbm>> -> memref<1408xi32, #tpu.memory_space<hbm>>
        tpu.wait_dma2 semaphore(%run_scoped3A : memref<!tpu.dma_semaphore, #tpu.memory_space<semaphore_mem>>) src(%dma_wait3A_109 : memref<1408xi32, #tpu.memory_space<hbm>>) dst(%arg10 : memref<1408xi32, #tpu.memory_space<vmem>>)
        tpu.yield
      }) : () -> ()
      %dma_start3A_82 = arith.constant 0 : i32
      %dma_start3A_83 = arith.constant 0 : i32
      %dma_start3A_84 = tpu.memref_slice %arg12[%dma_start3A_82, %dma_start3A_83] : memref<1408x8xf32, #tpu.memory_space<vmem>> -> memref<1408x8xf32, #tpu.memory_space<vmem>>
      %dma_start3A_85 = arith.constant 0 : i32
      %dma_start3A_86 = tpu.memref_slice %arg8[%dma_start3A_85] : memref<1408xi32, #tpu.memory_space<vmem>> -> memref<1408xi32, #tpu.memory_space<vmem>>
      %dma_start3A_87 = arith.constant 0 : i32
      %dma_start3A_88 = arith.constant 0 : i32
      %dma_start3A_89 = tpu.memref_slice %arg18[%dma_start3A_87, %dma_start3A_88] : memref<100352x8xf32, #tpu.memory_space<vmem_shared>> -> memref<100352x8xf32, #tpu.memory_space<vmem_shared>>
      tpu.enqueue_indirect_dma source(%dma_start3A_89 : memref<100352x8xf32, #tpu.memory_space<vmem_shared>>) target(%dma_start3A_84 : memref<1408x8xf32, #tpu.memory_space<vmem>>) offsets(%dma_start3A_86 : memref<1408xi32, #tpu.memory_space<vmem>>) semaphore(%arg15 : memref<!tpu.dma_semaphore, #tpu.memory_space<semaphore_mem>>)
      %dma_wait3A_90 = arith.constant 0 : i32
      %dma_wait3A_91 = arith.constant 0 : i32
      %dma_wait3A_92 = tpu.memref_slice %arg12[%dma_wait3A_90, %dma_wait3A_91] : memref<1408x8xf32, #tpu.memory_space<vmem>> -> memref<1408x8xf32, #tpu.memory_space<vmem>>
      %dma_wait3A_93 = arith.constant 0 : i32
      %dma_wait3A_94 = tpu.memref_slice %arg8[%dma_wait3A_93] : memref<1408xi32, #tpu.memory_space<vmem>> -> memref<1408xi32, #tpu.memory_space<vmem>>
      %dma_wait3A_95 = arith.constant 0 : i32
      %dma_wait3A_96 = arith.constant 0 : i32
      %dma_wait3A_97 = tpu.memref_slice %arg18[%dma_wait3A_95, %dma_wait3A_96] : memref<100352x8xf32, #tpu.memory_space<vmem_shared>> -> memref<100352x8xf32, #tpu.memory_space<vmem_shared>>
      tpu.wait_indirect_dma semaphore(%arg15 : memref<!tpu.dma_semaphore, #tpu.memory_space<semaphore_mem>>) src(%dma_wait3A_97 : memref<100352x8xf32, #tpu.memory_space<vmem_shared>>) dst(%dma_wait3A_92 : memref<1408x8xf32, #tpu.memory_space<vmem>>)
      %dma_start3A_98 = arith.constant 0 : i32
      %dma_start3A_99 = arith.constant 0 : i32
      %dma_start3A_100 = tpu.memref_slice %arg12[%dma_start3A_98, %dma_start3A_99] : memref<1408x8xf32, #tpu.memory_space<vmem>> -> memref<1408x8xf32, #tpu.memory_space<vmem>>
      %dma_start3A_101 = arith.constant 0 : i32
      %dma_start3A_102 = tpu.memref_slice %arg10[%dma_start3A_101] : memref<1408xi32, #tpu.memory_space<vmem>> -> memref<1408xi32, #tpu.memory_space<vmem>>
      %dma_start3A_103 = arith.constant 0 : i32
      %dma_start3A_104 = arith.constant 0 : i32
      %dma_start3A_105 = tpu.memref_slice %arg13[%dma_start3A_103, %dma_start3A_104] : memref<100352x8xf32, #tpu.memory_space<vmem_shared>> -> memref<100352x8xf32, #tpu.memory_space<vmem_shared>>
      tpu.enqueue_indirect_dma source(%dma_start3A_100 : memref<1408x8xf32, #tpu.memory_space<vmem>>) target(%dma_start3A_105 : memref<100352x8xf32, #tpu.memory_space<vmem_shared>>) offsets(%dma_start3A_102 : memref<1408xi32, #tpu.memory_space<vmem>>) semaphore(%arg17 : memref<!tpu.dma_semaphore, #tpu.memory_space<semaphore_mem>>) {add = true}
    }
    %scan3A_13 = arith.constant 36 : i32
    %dma_wait3A = arith.constant 0 : i32
    %dma_wait3A_14 = arith.constant 0 : i32
    %dma_wait3A_15 = tpu.memref_slice %arg11[%dma_wait3A, %dma_wait3A_14] : memref<1408x8xf32, #tpu.memory_space<vmem>> -> memref<1408x8xf32, #tpu.memory_space<vmem>>
    %dma_wait3A_16 = arith.constant 0 : i32
    %dma_wait3A_17 = tpu.memref_slice %arg9[%dma_wait3A_16] : memref<1408xi32, #tpu.memory_space<vmem>> -> memref<1408xi32, #tpu.memory_space<vmem>>
    %dma_wait3A_18 = arith.constant 0 : i32
    %dma_wait3A_19 = arith.constant 0 : i32
    %dma_wait3A_20 = tpu.memref_slice %arg13[%dma_wait3A_18, %dma_wait3A_19] : memref<100352x8xf32, #tpu.memory_space<vmem_shared>> -> memref<100352x8xf32, #tpu.memory_space<vmem_shared>>
    tpu.wait_indirect_dma semaphore(%arg16 : memref<!tpu.dma_semaphore, #tpu.memory_space<semaphore_mem>>) src(%dma_wait3A_15 : memref<1408x8xf32, #tpu.memory_space<vmem>>) dst(%dma_wait3A_20 : memref<100352x8xf32, #tpu.memory_space<vmem_shared>>)
    %dma_wait3A_21 = arith.constant 0 : i32
    %dma_wait3A_22 = arith.constant 0 : i32
    %dma_wait3A_23 = tpu.memref_slice %arg12[%dma_wait3A_21, %dma_wait3A_22] : memref<1408x8xf32, #tpu.memory_space<vmem>> -> memref<1408x8xf32, #tpu.memory_space<vmem>>
    %dma_wait3A_24 = arith.constant 0 : i32
    %dma_wait3A_25 = tpu.memref_slice %arg10[%dma_wait3A_24] : memref<1408xi32, #tpu.memory_space<vmem>> -> memref<1408xi32, #tpu.memory_space<vmem>>
    %dma_wait3A_26 = arith.constant 0 : i32
    %dma_wait3A_27 = arith.constant 0 : i32
    %dma_wait3A_28 = tpu.memref_slice %arg13[%dma_wait3A_26, %dma_wait3A_27] : memref<100352x8xf32, #tpu.memory_space<vmem_shared>> -> memref<100352x8xf32, #tpu.memory_space<vmem_shared>>
    tpu.wait_indirect_dma semaphore(%arg17 : memref<!tpu.dma_semaphore, #tpu.memory_space<semaphore_mem>>) src(%dma_wait3A_23 : memref<1408x8xf32, #tpu.memory_space<vmem>>) dst(%dma_wait3A_28 : memref<100352x8xf32, #tpu.memory_space<vmem_shared>>)
    %barrier3A_29 = arith.constant 0 : index
    tpu.barrier barrier_id(%barrier3A_29)
    %mul3A_30 = arith.constant 6272 : i32
    %mul3A_31 = arith.muli %arg1, %mul3A_30 : i32
    %mul3A_32 = arith.constant 100352 : i32
    %mul3A_33 = arith.muli %arg0, %mul3A_32 : i32
    %mul3A_34 = arith.constant 6272 : i32
    %mul3A_35 = arith.muli %arg1, %mul3A_34 : i32
    %add3A_36 = arith.addi %mul3A_33, %mul3A_35 : i32
    "tpu.region"() ({
      %run_scoped3A = tpu.sem_alloc : memref<!tpu.dma_semaphore, #tpu.memory_space<semaphore_mem>>
      %dma_start3A = arith.constant 0 : i32
      %dma_start3A_37 = tpu.memref_slice %arg6[%add3A_36, %dma_start3A] : memref<200704x8xf32, #tpu.memory_space<hbm>> -> memref<6272x8xf32, #tpu.memory_space<hbm>>
      %dma_start3A_38 = arith.constant 0 : i32
      %dma_start3A_39 = tpu.memref_slice %arg13[%mul3A_31, %dma_start3A_38] : memref<100352x8xf32, #tpu.memory_space<vmem_shared>> -> memref<6272x8xf32, #tpu.memory_space<vmem_shared>>
      tpu.enqueue_dma source(%dma_start3A_39 : memref<6272x8xf32, #tpu.memory_space<vmem_shared>>) target(%dma_start3A_37 : memref<6272x8xf32, #tpu.memory_space<hbm>>) target_semaphore(%run_scoped3A : memref<!tpu.dma_semaphore, #tpu.memory_space<semaphore_mem>>)
      %dma_wait3A_40 = arith.constant 0 : i32
      %dma_wait3A_41 = tpu.memref_slice %arg6[%add3A_36, %dma_wait3A_40] : memref<200704x8xf32, #tpu.memory_space<hbm>> -> memref<6272x8xf32, #tpu.memory_space<hbm>>
      %dma_wait3A_42 = arith.constant 0 : i32
      %dma_wait3A_43 = tpu.memref_slice %arg13[%mul3A_31, %dma_wait3A_42] : memref<100352x8xf32, #tpu.memory_space<vmem_shared>> -> memref<6272x8xf32, #tpu.memory_space<vmem_shared>>
      tpu.wait_dma2 semaphore(%run_scoped3A : memref<!tpu.dma_semaphore, #tpu.memory_space<semaphore_mem>>) src(%dma_wait3A_43 : memref<6272x8xf32, #tpu.memory_space<vmem_shared>>) dst(%dma_wait3A_41 : memref<6272x8xf32, #tpu.memory_space<hbm>>)
      tpu.yield
    }) : () -> ()
    return
  }
}

module attributes {stable_mosaic.version = 14 : i64} {
  func.func @_prep_body(%arg0: i32, %arg1: memref<112x128xf32, #tpu.memory_space<vmem>>, %arg2: memref<112x128xf32, #tpu.memory_space<vmem>>, %arg3: memref<112x128xf32, #tpu.memory_space<vmem>>) attributes {dimension_semantics = [#tpu.dimension_semantics<arbitrary>], iteration_bounds = array<i64: 7>, scalar_prefetch = 0 : i64, scratch_operands = 0 : i64, tpu.core_type = #tpu.core_type<tc>, window_params = [{transform_indices = @transform_0, window_bounds = array<i64: 112, 128>}, {transform_indices = @transform_1, window_bounds = array<i64: 112, 128>}, {transform_indices = @transform_2, window_bounds = array<i64: 112, 128>}]} {
    %get3A = arith.constant 0 : index
    %get3A_0 = arith.constant 0 : index
    %get3A_1 = vector.load %arg1[%get3A, %get3A_0] : memref<112x128xf32, #tpu.memory_space<vmem>>, vector<112x128xf32>
    %get3A_2 = arith.constant 0 : index
    %get3A_3 = arith.constant 0 : index
    %get3A_4 = vector.load %arg2[%get3A_2, %get3A_3] : memref<112x128xf32, #tpu.memory_space<vmem>>, vector<112x128xf32>
    %add3A = arith.addf %get3A_1, %get3A_4 : vector<112x128xf32>
    %add3A_5 = arith.constant 1.000000e+00 : f32
    %add3A_6 = vector.broadcast %add3A_5 : f32 to vector<112x128xf32>
    %add3A_7 = arith.addf %add3A, %add3A_6 : vector<112x128xf32>
    %rsqrt3A = math.rsqrt %add3A_7 : vector<112x128xf32>
    %swap3A = arith.constant 0 : index
    %swap3A_8 = arith.constant 0 : index
    %swap3A_9 = vector.load %arg3[%swap3A, %swap3A_8] : memref<112x128xf32, #tpu.memory_space<vmem>>, vector<112x128xf32>
    tpu.vector_store %arg3[%swap3A, %swap3A_8], %rsqrt3A {strides = array<i32>} : memref<112x128xf32, #tpu.memory_space<vmem>>, vector<112x128xf32>,
    return
  }
  func.func @transform_0(%arg0: i32) -> (i32, i32) {
    %c0_i32 = arith.constant 0 : i32
    %c0_i32_0 = arith.constant 0 : i32
    return %arg0, %c0_i32 : i32, i32
  }
  func.func @transform_1(%arg0: i32) -> (i32, i32) {
    %add3A = arith.constant 7 : i32
    %add3A_0 = arith.addi %arg0, %add3A : i32
    %c0_i32 = arith.constant 0 : i32
    %c0_i32_1 = arith.constant 0 : i32
    return %add3A_0, %c0_i32 : i32, i32
  }
  func.func @transform_2(%arg0: i32) -> (i32, i32) {
    %c0_i32 = arith.constant 0 : i32
    %c0_i32_0 = arith.constant 0 : i32
    return %arg0, %c0_i32 : i32, i32
  }
}

module attributes {stable_mosaic.version = 14 : i64} {
  func.func @_xs_body(%arg0: i32, %arg1: memref<392x128xf32, #tpu.memory_space<vmem>>, %arg2: memref<392x128xf32, #tpu.memory_space<vmem>>, %arg3: memref<392x128xf32, #tpu.memory_space<vmem>>) attributes {dimension_semantics = [#tpu.dimension_semantics<arbitrary>], iteration_bounds = array<i64: 16>, scalar_prefetch = 0 : i64, scratch_operands = 0 : i64, tpu.core_type = #tpu.core_type<tc>, window_params = [{transform_indices = @transform_0, window_bounds = array<i64: 392, 128>}, {transform_indices = @transform_1, window_bounds = array<i64: 392, 128>}, {transform_indices = @transform_2, window_bounds = array<i64: 392, 128>}]} {
    %get3A = arith.constant 0 : index
    %get3A_0 = arith.constant 0 : index
    %get3A_1 = vector.load %arg1[%get3A, %get3A_0] : memref<392x128xf32, #tpu.memory_space<vmem>>, vector<392x128xf32>
    %get3A_2 = arith.constant 0 : index
    %get3A_3 = arith.constant 0 : index
    %get3A_4 = vector.load %arg2[%get3A_2, %get3A_3] : memref<392x128xf32, #tpu.memory_space<vmem>>, vector<392x128xf32>
    %mul3A = arith.mulf %get3A_1, %get3A_4 : vector<392x128xf32>
    %swap3A = arith.constant 0 : index
    %swap3A_5 = arith.constant 0 : index
    %swap3A_6 = vector.load %arg3[%swap3A, %swap3A_5] : memref<392x128xf32, #tpu.memory_space<vmem>>, vector<392x128xf32>
    tpu.vector_store %arg3[%swap3A, %swap3A_5], %mul3A {strides = array<i32>} : memref<392x128xf32, #tpu.memory_space<vmem>>, vector<392x128xf32>,
    return
  }
  func.func @transform_0(%arg0: i32) -> (i32, i32) {
    %c0_i32 = arith.constant 0 : i32
    %c0_i32_0 = arith.constant 0 : i32
    return %arg0, %c0_i32 : i32, i32
  }
  func.func @transform_1(%arg0: i32) -> (i32, i32) {
    %c0_i32 = arith.constant 0 : i32
    %c0_i32_0 = arith.constant 0 : i32
    return %arg0, %c0_i32 : i32, i32
  }
  func.func @transform_2(%arg0: i32) -> (i32, i32) {
    %c0_i32 = arith.constant 0 : i32
    %c0_i32_0 = arith.constant 0 : i32
    return %arg0, %c0_i32 : i32, i32
  }
}

module attributes {stable_mosaic.version = 14 : i64} {
  func.func @_mid_body(%arg0: i32, %arg1: memref<392x128xf32, #tpu.memory_space<vmem>>, %arg2: memref<392x128xf32, #tpu.memory_space<vmem>>, %arg3: memref<392x128xf32, #tpu.memory_space<vmem>>, %arg4: memref<392x128xf32, #tpu.memory_space<vmem>>, %arg5: memref<128x512xf32, #tpu.memory_space<vmem>>, %arg6: memref<1x512xf32, #tpu.memory_space<vmem>>, %arg7: memref<512x128xf32, #tpu.memory_space<vmem>>, %arg8: memref<512x128xf32, #tpu.memory_space<vmem>>, %arg9: memref<2x392x128xf32, #tpu.memory_space<vmem>>) attributes {dimension_semantics = [#tpu.dimension_semantics<arbitrary>], iteration_bounds = array<i64: 16>, scalar_prefetch = 0 : i64, scratch_operands = 0 : i64, tpu.core_type = #tpu.core_type<tc>, window_params = [{transform_indices = @transform_0, window_bounds = array<i64: 392, 128>}, {transform_indices = @transform_1, window_bounds = array<i64: 392, 128>}, {transform_indices = @transform_2, window_bounds = array<i64: 392, 128>}, {transform_indices = @transform_3, window_bounds = array<i64: 392, 128>}, {pipeline_mode = #tpu.pipeline_mode<synchronous>, transform_indices = @transform_4, window_bounds = array<i64: 128, 512>}, {pipeline_mode = #tpu.pipeline_mode<synchronous>, transform_indices = @transform_5, window_bounds = array<i64: 1, 512>}, {pipeline_mode = #tpu.pipeline_mode<synchronous>, transform_indices = @transform_6, window_bounds = array<i64: 512, 128>}, {pipeline_mode = #tpu.pipeline_mode<synchronous>, transform_indices = @transform_7, window_bounds = array<i64: 512, 128>}, {transform_indices = @transform_8, window_bounds = array<i64: 2, 392, 128>}]} {
    %get3A = arith.constant 0 : index
    %get3A_0 = arith.constant 0 : index
    %get3A_1 = vector.load %arg4[%get3A, %get3A_0] : memref<392x128xf32, #tpu.memory_space<vmem>>, vector<392x128xf32>
    %get3A_2 = arith.constant 0 : index
    %get3A_3 = arith.constant 0 : index
    %get3A_4 = vector.load %arg1[%get3A_2, %get3A_3] : memref<392x128xf32, #tpu.memory_space<vmem>>, vector<392x128xf32>
    %get3A_5 = arith.constant 0 : index
    %get3A_6 = arith.constant 0 : index
    %get3A_7 = vector.load %arg2[%get3A_5, %get3A_6] : memref<392x128xf32, #tpu.memory_space<vmem>>, vector<392x128xf32>
    %add3A = arith.addf %get3A_4, %get3A_7 : vector<392x128xf32>
    %get3A_8 = arith.constant 0 : index
    %get3A_9 = arith.constant 0 : index
    %get3A_10 = vector.load %arg3[%get3A_8, %get3A_9] : memref<392x128xf32, #tpu.memory_space<vmem>>, vector<392x128xf32>
    %add3A_11 = arith.addf %add3A, %get3A_10 : vector<392x128xf32>
    %mul3A = arith.mulf %add3A_11, %get3A_1 : vector<392x128xf32>
    %get3A_12 = arith.constant 0 : index
    %get3A_13 = arith.constant 0 : index
    %get3A_14 = vector.load %arg5[%get3A_12, %get3A_13] : memref<128x512xf32, #tpu.memory_space<vmem>>, vector<128x512xf32>
    %dot_general3A = arith.constant dense<0.000000e+00> : vector<392x512xf32>
    %dot_general3A_15 = tpu.matmul %mul3A, %get3A_14, %dot_general3A {dimension_numbers = #tpu.dot_dimension_numbers<[1], [0], [0], [1], [0, 0, 1, 1], [], []>, precision = #tpu.contract_precision<fp32>, transpose_lhs_hint = false} : vector<392x128xf32>, vector<128x512xf32>, vector<392x512xf32> -> vector<392x512xf32>
    %get3A_16 = arith.constant 0 : index
    %get3A_17 = arith.constant 0 : index
    %get3A_18 = vector.load %arg6[%get3A_16, %get3A_17] : memref<1x512xf32, #tpu.memory_space<vmem>>, vector<1x512xf32>
    %add3A_19 = vector.broadcast %get3A_18 : vector<1x512xf32> to vector<392x512xf32>
    %add3A_20 = arith.addf %dot_general3A_15, %add3A_19 : vector<392x512xf32>
    %max3A = arith.constant 0.000000e+00 : f32
    %max3A_21 = vector.broadcast %max3A : f32 to vector<392x512xf32>
    %max3A_22 = arith.maximumf %add3A_20, %max3A_21 : vector<392x512xf32>
    %get3A_23 = arith.constant 0 : index
    %get3A_24 = arith.constant 0 : index
    %get3A_25 = vector.load %arg7[%get3A_23, %get3A_24] : memref<512x128xf32, #tpu.memory_space<vmem>>, vector<512x128xf32>
    %dot_general3A_26 = arith.constant dense<0.000000e+00> : vector<392x128xf32>
    %dot_general3A_27 = tpu.matmul %max3A_22, %get3A_25, %dot_general3A_26 {dimension_numbers = #tpu.dot_dimension_numbers<[1], [0], [0], [1], [0, 0, 1, 1], [], []>, precision = #tpu.contract_precision<fp32>, transpose_lhs_hint = false} : vector<392x512xf32>, vector<512x128xf32>, vector<392x128xf32> -> vector<392x128xf32>
    %mul3A_28 = arith.mulf %dot_general3A_27, %get3A_1 : vector<392x128xf32>
    %swap3A = arith.constant 0 : index
    %swap3A_29 = arith.constant 0 : index
    %swap3A_30 = arith.constant 0 : index
    %swap3A_31 = vector.load %arg9[%swap3A, %swap3A_29, %swap3A_30] : memref<2x392x128xf32, #tpu.memory_space<vmem>>, vector<1x392x128xf32>
    %swap3A_32 = vector.shape_cast %swap3A_31 : vector<1x392x128xf32> to vector<392x128xf32>
    %swap3A_33 = vector.shape_cast %mul3A_28 : vector<392x128xf32> to vector<1x392x128xf32>
    tpu.vector_store %arg9[%swap3A, %swap3A_29, %swap3A_30], %swap3A_33 {strides = array<i32>} : memref<2x392x128xf32, #tpu.memory_space<vmem>>, vector<1x392x128xf32>,
    %get3A_34 = arith.constant 0 : index
    %get3A_35 = arith.constant 0 : index
    %get3A_36 = vector.load %arg8[%get3A_34, %get3A_35] : memref<512x128xf32, #tpu.memory_space<vmem>>, vector<512x128xf32>
    %dot_general3A_37 = arith.constant dense<0.000000e+00> : vector<392x128xf32>
    %dot_general3A_38 = tpu.matmul %max3A_22, %get3A_36, %dot_general3A_37 {dimension_numbers = #tpu.dot_dimension_numbers<[1], [0], [0], [1], [0, 0, 1, 1], [], []>, precision = #tpu.contract_precision<fp32>, transpose_lhs_hint = false} : vector<392x512xf32>, vector<512x128xf32>, vector<392x128xf32> -> vector<392x128xf32>
    %mul3A_39 = arith.mulf %dot_general3A_38, %get3A_1 : vector<392x128xf32>
    %swap3A_40 = arith.constant 1 : index
    %swap3A_41 = arith.constant 0 : index
    %swap3A_42 = arith.constant 0 : index
    %swap3A_43 = vector.load %arg9[%swap3A_40, %swap3A_41, %swap3A_42] : memref<2x392x128xf32, #tpu.memory_space<vmem>>, vector<1x392x128xf32>
    %swap3A_44 = vector.shape_cast %swap3A_43 : vector<1x392x128xf32> to vector<392x128xf32>
    %swap3A_45 = vector.shape_cast %mul3A_39 : vector<392x128xf32> to vector<1x392x128xf32>
    tpu.vector_store %arg9[%swap3A_40, %swap3A_41, %swap3A_42], %swap3A_45 {strides = array<i32>} : memref<2x392x128xf32, #tpu.memory_space<vmem>>, vector<1x392x128xf32>,
    return
  }
  func.func @transform_0(%arg0: i32) -> (i32, i32) {
    %c0_i32 = arith.constant 0 : i32
    %c0_i32_0 = arith.constant 0 : i32
    return %arg0, %c0_i32 : i32, i32
  }
  func.func @transform_1(%arg0: i32) -> (i32, i32) {
    %add3A = arith.constant 16 : i32
    %add3A_0 = arith.addi %arg0, %add3A : i32
    %c0_i32 = arith.constant 0 : i32
    %c0_i32_1 = arith.constant 0 : i32
    return %add3A_0, %c0_i32 : i32, i32
  }
  func.func @transform_2(%arg0: i32) -> (i32, i32) {
    %c0_i32 = arith.constant 0 : i32
    %c0_i32_0 = arith.constant 0 : i32
    return %arg0, %c0_i32 : i32, i32
  }
  func.func @transform_3(%arg0: i32) -> (i32, i32) {
    %c0_i32 = arith.constant 0 : i32
    %c0_i32_0 = arith.constant 0 : i32
    return %arg0, %c0_i32 : i32, i32
  }
  func.func @transform_4(%arg0: i32) -> (i32, i32) {
    %c0_i32 = arith.constant 0 : i32
    %c0_i32_0 = arith.constant 0 : i32
    %c0_i32_1 = arith.constant 0 : i32
    return %c0_i32, %c0_i32_0 : i32, i32
  }
  func.func @transform_5(%arg0: i32) -> (i32, i32) {
    %c0_i32 = arith.constant 0 : i32
    %c0_i32_0 = arith.constant 0 : i32
    %c0_i32_1 = arith.constant 0 : i32
    return %c0_i32, %c0_i32_0 : i32, i32
  }
  func.func @transform_6(%arg0: i32) -> (i32, i32) {
    %c0_i32 = arith.constant 0 : i32
    %c0_i32_0 = arith.constant 0 : i32
    %c0_i32_1 = arith.constant 0 : i32
    return %c0_i32, %c0_i32_0 : i32, i32
  }
  func.func @transform_7(%arg0: i32) -> (i32, i32) {
    %c0_i32 = arith.constant 0 : i32
    %c0_i32_0 = arith.constant 0 : i32
    %c0_i32_1 = arith.constant 0 : i32
    return %c0_i32, %c0_i32_0 : i32, i32
  }
  func.func @transform_8(%arg0: i32) -> (i32, i32, i32) {
    %c0_i32 = arith.constant 0 : i32
    %c0_i32_0 = arith.constant 0 : i32
    %c0_i32_1 = arith.constant 0 : i32
    return %c0_i32, %arg0, %c0_i32_0 : i32, i32, i32
  }
}

module attributes {stable_mosaic.version = 14 : i64} {
  func.func @_post_body(%arg0: i32, %arg1: memref<392x128xf32, #tpu.memory_space<vmem>>, %arg2: memref<392x128xf32, #tpu.memory_space<vmem>>, %arg3: memref<392x128xf32, #tpu.memory_space<vmem>>, %arg4: memref<392x128xf32, #tpu.memory_space<vmem>>, %arg5: memref<392x128xf32, #tpu.memory_space<vmem>>, %arg6: memref<1x128xf32, #tpu.memory_space<vmem>>, %arg7: memref<1x128xf32, #tpu.memory_space<vmem>>, %arg8: memref<2x392x128xf32, #tpu.memory_space<vmem>>) attributes {dimension_semantics = [#tpu.dimension_semantics<arbitrary>], iteration_bounds = array<i64: 16>, scalar_prefetch = 0 : i64, scratch_operands = 0 : i64, tpu.core_type = #tpu.core_type<tc>, window_params = [{transform_indices = @transform_0, window_bounds = array<i64: 392, 128>}, {transform_indices = @transform_1, window_bounds = array<i64: 392, 128>}, {transform_indices = @transform_2, window_bounds = array<i64: 392, 128>}, {transform_indices = @transform_3, window_bounds = array<i64: 392, 128>}, {transform_indices = @transform_4, window_bounds = array<i64: 392, 128>}, {pipeline_mode = #tpu.pipeline_mode<synchronous>, transform_indices = @transform_5, window_bounds = array<i64: 1, 128>}, {pipeline_mode = #tpu.pipeline_mode<synchronous>, transform_indices = @transform_6, window_bounds = array<i64: 1, 128>}, {transform_indices = @transform_7, window_bounds = array<i64: 2, 392, 128>}]} {
    %get3A = arith.constant 0 : index
    %get3A_0 = arith.constant 0 : index
    %get3A_1 = vector.load %arg5[%get3A, %get3A_0] : memref<392x128xf32, #tpu.memory_space<vmem>>, vector<392x128xf32>
    %get3A_2 = arith.constant 0 : index
    %get3A_3 = arith.constant 0 : index
    %get3A_4 = vector.load %arg1[%get3A_2, %get3A_3] : memref<392x128xf32, #tpu.memory_space<vmem>>, vector<392x128xf32>
    %get3A_5 = arith.constant 0 : index
    %get3A_6 = arith.constant 0 : index
    %get3A_7 = vector.load %arg3[%get3A_5, %get3A_6] : memref<392x128xf32, #tpu.memory_space<vmem>>, vector<392x128xf32>
    %add3A = arith.addf %get3A_4, %get3A_7 : vector<392x128xf32>
    %mul3A = arith.mulf %add3A, %get3A_1 : vector<392x128xf32>
    %get3A_8 = arith.constant 0 : index
    %get3A_9 = arith.constant 0 : index
    %get3A_10 = vector.load %arg6[%get3A_8, %get3A_9] : memref<1x128xf32, #tpu.memory_space<vmem>>, vector<1x128xf32>
    %add3A_11 = vector.broadcast %get3A_10 : vector<1x128xf32> to vector<392x128xf32>
    %add3A_12 = arith.addf %mul3A, %add3A_11 : vector<392x128xf32>
    %swap3A = arith.constant 0 : index
    %swap3A_13 = arith.constant 0 : index
    %swap3A_14 = arith.constant 0 : index
    %swap3A_15 = vector.load %arg8[%swap3A, %swap3A_13, %swap3A_14] : memref<2x392x128xf32, #tpu.memory_space<vmem>>, vector<1x392x128xf32>
    %swap3A_16 = vector.shape_cast %swap3A_15 : vector<1x392x128xf32> to vector<392x128xf32>
    %swap3A_17 = vector.shape_cast %add3A_12 : vector<392x128xf32> to vector<1x392x128xf32>
    tpu.vector_store %arg8[%swap3A, %swap3A_13, %swap3A_14], %swap3A_17 {strides = array<i32>} : memref<2x392x128xf32, #tpu.memory_space<vmem>>, vector<1x392x128xf32>,
    %get3A_18 = arith.constant 0 : index
    %get3A_19 = arith.constant 0 : index
    %get3A_20 = vector.load %arg2[%get3A_18, %get3A_19] : memref<392x128xf32, #tpu.memory_space<vmem>>, vector<392x128xf32>
    %get3A_21 = arith.constant 0 : index
    %get3A_22 = arith.constant 0 : index
    %get3A_23 = vector.load %arg4[%get3A_21, %get3A_22] : memref<392x128xf32, #tpu.memory_space<vmem>>, vector<392x128xf32>
    %add3A_24 = arith.addf %get3A_20, %get3A_23 : vector<392x128xf32>
    %mul3A_25 = arith.mulf %add3A_24, %get3A_1 : vector<392x128xf32>
    %get3A_26 = arith.constant 0 : index
    %get3A_27 = arith.constant 0 : index
    %get3A_28 = vector.load %arg7[%get3A_26, %get3A_27] : memref<1x128xf32, #tpu.memory_space<vmem>>, vector<1x128xf32>
    %add3A_29 = vector.broadcast %get3A_28 : vector<1x128xf32> to vector<392x128xf32>
    %add3A_30 = arith.addf %mul3A_25, %add3A_29 : vector<392x128xf32>
    %swap3A_31 = arith.constant 1 : index
    %swap3A_32 = arith.constant 0 : index
    %swap3A_33 = arith.constant 0 : index
    %swap3A_34 = vector.load %arg8[%swap3A_31, %swap3A_32, %swap3A_33] : memref<2x392x128xf32, #tpu.memory_space<vmem>>, vector<1x392x128xf32>
    %swap3A_35 = vector.shape_cast %swap3A_34 : vector<1x392x128xf32> to vector<392x128xf32>
    %swap3A_36 = vector.shape_cast %add3A_30 : vector<392x128xf32> to vector<1x392x128xf32>
    tpu.vector_store %arg8[%swap3A_31, %swap3A_32, %swap3A_33], %swap3A_36 {strides = array<i32>} : memref<2x392x128xf32, #tpu.memory_space<vmem>>, vector<1x392x128xf32>,
    return
  }
  func.func @transform_0(%arg0: i32) -> (i32, i32) {
    %c0_i32 = arith.constant 0 : i32
    %c0_i32_0 = arith.constant 0 : i32
    return %arg0, %c0_i32 : i32, i32
  }
  func.func @transform_1(%arg0: i32) -> (i32, i32) {
    %add3A = arith.constant 16 : i32
    %add3A_0 = arith.addi %arg0, %add3A : i32
    %c0_i32 = arith.constant 0 : i32
    %c0_i32_1 = arith.constant 0 : i32
    return %add3A_0, %c0_i32 : i32, i32
  }
  func.func @transform_2(%arg0: i32) -> (i32, i32) {
    %c0_i32 = arith.constant 0 : i32
    %c0_i32_0 = arith.constant 0 : i32
    return %arg0, %c0_i32 : i32, i32
  }
  func.func @transform_3(%arg0: i32) -> (i32, i32) {
    %add3A = arith.constant 16 : i32
    %add3A_0 = arith.addi %arg0, %add3A : i32
    %c0_i32 = arith.constant 0 : i32
    %c0_i32_1 = arith.constant 0 : i32
    return %add3A_0, %c0_i32 : i32, i32
  }
  func.func @transform_4(%arg0: i32) -> (i32, i32) {
    %c0_i32 = arith.constant 0 : i32
    %c0_i32_0 = arith.constant 0 : i32
    return %arg0, %c0_i32 : i32, i32
  }
  func.func @transform_5(%arg0: i32) -> (i32, i32) {
    %c0_i32 = arith.constant 0 : i32
    %c0_i32_0 = arith.constant 0 : i32
    %c0_i32_1 = arith.constant 0 : i32
    return %c0_i32, %c0_i32_0 : i32, i32
  }
  func.func @transform_6(%arg0: i32) -> (i32, i32) {
    %c0_i32 = arith.constant 0 : i32
    %c0_i32_0 = arith.constant 0 : i32
    %c0_i32_1 = arith.constant 0 : i32
    return %c0_i32, %c0_i32_0 : i32, i32
  }
  func.func @transform_7(%arg0: i32) -> (i32, i32, i32) {
    %c0_i32 = arith.constant 0 : i32
    %c0_i32_0 = arith.constant 0 : i32
    %c0_i32_1 = arith.constant 0 : i32
    return %c0_i32, %arg0, %c0_i32_0 : i32, i32, i32
  }
}

</mosaic_0001>

<sc_bundles>
// kernel: kernel.12.cloned.1.call-start
scs
__scs_entry_jumppad:
0x0: {  	(pc) =	sbr.rel $0x88, $3  }
0x1: {  	(tag) =	ssettag $0x0;
	lr =	simm.s32 $0x1  }
0x2: {  	[smem:$0x3F9B] =	sst lr;
	_ =	strace $0xD0000000  }
0x3: {  	_ = 	snop  }
0x4: {  	_ = 	snop  }
0x5: {  	_ = 	snop  }
0x6: {  	_ = 	snop  }
0x7: {  	_ = 	snop  }
__scs_overlays_trampoline_lowered:
0x8: {  	[smem:$0x3FAA] =	sst s0  }
0x9: {  	[smem:$0x3FAB] =	sst s1  }
0xa: {  	[smem:$0x3FAC] =	sst s2  }
0xb: {  	[smem:$0x3FAD] =	sst s3  }
0xc: {  	[smem:$0x3FAE] =	sst s4  }
0xd: {  	[smem:$0x3FAF] =	sst s5  }
0xe: {  	[smem:$0x3FB0] =	sst s6  }
0xf: {  	[smem:$0x3FB1] =	sst s7  }
0x10: {  	[smem:$0x3FB2] =	sst s8  }
0x11: {  	[smem:$0x3FB3] =	sst s9;
	s0 =	simm.s32 @!p0 $0x0  }
0x12: {  	s1 =	sld [smem:$0x3F99];
	s0 =	simm.s32 @p0 $0x1  }
0x13: {  	[smem:$0x3FB4] =	sst s0;
	s0 =	simm.s32 @!p1 $0x0  }
0x14: {  	s2 =	sld [smem:$0x3F98];
	s0 =	simm.s32 @p1 $0x1  }
0x15: {  	[smem:$0x3FB5] =	sst s0;
	s0 =	simm.s32 @!p2 $0x0  }
0x16: {  	s3 =	sld [smem:$0x3FDB];
	s0 =	simm.s32 @p2 $0x1  }
0x17: {  	s4 =	simm.s32 $0x1BF5;
	[smem:$0x3FB7] =	sst s0  }
0x18: {  	s0 =	sld [smem:$0x3F9A];
	_ =	swait.ge [sflag:s4], $0x0  }
0x19: {  	s7 =	sld [smem:$0x3F9B]  }
0x1a: {  	s8 =	sadd.s32 $0xFFFFE003, lr  }
0x1b: {  	s9 =	sadd.s32 $0xFFFFFEF7, lr;
	s5 =	simm.s32 $0xFFFFFFFF;
	p2 =	slt.u32 s8, $0xFFFFF086  }
0x1c: {  	p1 =	slt.u32 s9, $0xF7A;
	s5 =	simm.s32 @!p2 $0x0  }
0x1d: {  	s5 =	simm.s32 @p1 $0x1;
	p0 =	seq.s32 s7, s2  }
0x1e: {  	s7 =	smul.u32 @!p0 $0xF7A, s2;
	p2 =	seq.s32 @!p0 s5, $0x0  }
0x1f: {  	s9 =	smul.u32 $0xF7A, s1;
	s8 =	simm.s32 @!p0 $0x1BF5;
	p2 =	por !p2, p0  }
0x20: {  	[sflag:s8] =	ssyncset.s32 @!p0 $0xFFFFF086;
	s6 =	sadd.s32 @!p0 s3, s7;
	s7 =	simm.s32 @!p0 $0x108  }
0x21: {  	s3 =	sadd.s32 s3, s9;
	s6 =	sadd.s32 @!p0 $0x88, s6;
	s7 =	simm.s32 @p2 $0x1082  }
0x22: {  	[simem:s7], [sflag:s8] =	dma.local @!p0 [hbm:s6], $0xF7A  }
0x23: {  	s9 =	sor.u32 $0xD0000000, s2;
	s6 =	simm.s32 $0x108;
	_ =	swait.ge @!p0 [sflag:s8], $0x0  }
0x24: {  	s3 =	sadd.s32 $0x88, s3;
	s6 =	simm.s32 @!p1 $0x1082;
	[sflag:s4] =	ssyncset.s32 $0xFFFFF086  }
0x25: {  	[simem:s6], [sflag:s4] =	dma.local [hbm:s3], $0xF7A  }
0x26: {  	[smem:$0x3F9B] =	sst s1;
	(tag) =	ssettag s2;
	_ =	strace s9  }
0x27: {  	s1 =	sld [smem:$0x3FAB]  }
0x28: {  	s2 =	sld [smem:$0x3FAC]  }
0x29: {  	s4 =	sld [smem:$0x3FAE]  }
0x2a: {  	p0 =	seq.s32 s5, $0x0;
	s5 =	sld [smem:$0x3FAF]  }
0x2b: {  	s6 =	sld [smem:$0x3FB0]  }
0x2c: {  	s7 =	sld [smem:$0x3FB1]  }
0x2d: {  	s3 =	simm.s32 $0x108;
	s8 =	sld [smem:$0x3FB2]  }
0x2e: {  	s3 =	simm.s32 @!p0 $0x1082;
	s9 =	sld [smem:$0x3FB3]  }
0x2f: {  	lr =	sadd.s32 s0, s3;
	s0 =	sld [smem:$0x3FAA]  }
0x30: {  	s3 =	sld [smem:$0x3FAD]  }
0x31: {  	[smem:$0x3FB6] =	sst s10  }
0x32: {  	s10 =	sld [smem:$0x3FB4];
	_ =	sdelay $0x3  }
0x33: {  	p0 =	seq.s32 s10, $0x1;
	s10 =	sld [smem:$0x3FB6];
	_ =	sdelay $0x3  }
0x34: {  	[smem:$0x3FB6] =	sst s10  }
0x35: {  	s10 =	sld [smem:$0x3FB5];
	_ =	sdelay $0x3  }
0x36: {  	p1 =	seq.s32 s10, $0x1;
	s10 =	sld [smem:$0x3FB6];
	_ =	sdelay $0x3  }
0x37: {  	[smem:$0x3FB6] =	sst s10  }
0x38: {  	s10 =	sld [smem:$0x3FB7]  }
0x39: {  	_ = 	snop;
	(pc) =	sbr.ind lr, $3  }
0x3a: {  	_ = 	snop  }
0x3b: {  	_ = 	snop  }
0x3c: {  	p2 =	seq.s32 s10, $0x1;
	s10 =	sld [smem:$0x3FB6]  }
0x3d: {  	_ =	shalt  }
0x3e: {  	_ =	shalt  }
0x3f: {  	_ =	shalt  }
0x40: {  	_ =	shalt  }
0x41: {  	_ =	shalt  }
0x42: {  	_ =	shalt  }
0x43: {  	_ =	shalt  }
0x44: {  	_ =	shalt  }
0x45: {  	_ =	shalt  }
0x46: {  	_ =	shalt  }
0x47: {  	_ =	shalt  }
0x48: {  	_ =	shalt  }
0x49: {  	_ =	shalt  }
0x4a: {  	_ =	shalt  }
0x4b: {  	_ =	shalt  }
0x4c: {  	_ =	shalt  }
0x4d: {  	_ =	shalt  }
0x4e: {  	_ =	shalt  }
0x4f: {  	_ =	shalt  }
0x50: {  	_ =	shalt  }
0x51: {  	_ =	shalt  }
0x52: {  	_ =	shalt  }
0x53: {  	_ =	shalt  }
0x54: {  	_ =	shalt  }
0x55: {  	_ =	shalt  }
0x56: {  	_ =	shalt  }
0x57: {  	_ =	shalt  }
0x58: {  	_ =	shalt  }
0x59: {  	_ =	shalt  }
0x5a: {  	_ =	shalt  }
0x5b: {  	_ =	shalt  }
0x5c: {  	_ =	shalt  }
0x5d: {  	_ =	shalt  }
0x5e: {  	_ =	shalt  }
0x5f: {  	_ =	shalt  }
0x60: {  	_ =	shalt  }
0x61: {  	_ =	shalt  }
0x62: {  	_ =	shalt  }
0x63: {  	_ =	shalt  }
0x64: {  	_ =	shalt  }
0x65: {  	_ =	shalt  }
0x66: {  	_ =	shalt  }
0x67: {  	_ =	shalt  }
0x68: {  	_ =	shalt  }
0x69: {  	_ =	shalt  }
0x6a: {  	_ =	shalt  }
0x6b: {  	_ =	shalt  }
0x6c: {  	_ =	shalt  }
0x6d: {  	_ =	shalt  }
0x6e: {  	_ =	shalt  }
0x6f: {  	_ =	shalt  }
0x70: {  	_ =	shalt  }
0x71: {  	_ =	shalt  }
0x72: {  	_ =	shalt  }
0x73: {  	_ =	shalt  }
0x74: {  	_ =	shalt  }
0x75: {  	_ =	shalt  }
0x76: {  	_ =	shalt  }
0x77: {  	_ =	shalt  }
0x78: {  	_ =	shalt  }
0x79: {  	_ =	shalt  }
0x7a: {  	_ =	shalt  }
0x7b: {  	_ =	shalt  }
0x7c: {  	_ =	shalt  }
0x7d: {  	_ =	shalt  }
0x7e: {  	_ =	shalt  }
0x7f: {  	_ =	shalt  }
0x80: {  	_ =	shalt  }
0x81: {  	_ =	shalt  }
0x82: {  	_ =	shalt  }
0x83: {  	_ =	shalt  }
0x84: {  	_ =	shalt  }
0x85: {  	_ =	shalt  }
0x86: {  	_ =	shalt  }
0x87: {  	_ =	shalt  }
.Lfunc_end0:
.L_simem_size_0:
called_computation.1_lowered:
.L_overlay_start_0:
0x88: {  	s2 =	sld [smem:$0x3FD9]  }
0x89: {  	s3 =	sld [smem:$0x3FFE];
	_ =	sdelay $0x1  }
0x8a: {  	s1 =	srdreg.scid  }
0x8b: {  	s0 =	sand.u32 $0x1, s1  }
0x8c: {  	s17 =	sshll.u32 s0, $0xA;
	s2 =	sadd.s32 s3, s2  }
0x8d: {  	s2 =	sadd.s32 s2, s17  }
0x8e: {  	[smem:$0x3FC2] =	sst s2  }
0x8f: {  	_ = 	snop  }
0x90: {  	s2 =	sld [smem:$0x3FD0];
	(tm) =	ssettm $0x1  }
0x91: {  	s18 =	sld [smem:$0x3FFB];
	_ =	sdelay $0x3  }
0x92: {  	_ =	strace s18  }
0x93: {  	s3 =	sld [smem:$0x3FFC];
	_ =	sdelay $0x3  }
0x94: {  	_ =	strace s3  }
0x95: {  	s3 =	sld [smem:$0x3FFD];
	_ =	sdelay $0x3  }
0x96: {  	_ =	strace s3  }
0x97: {  	_ =	strace $0x8FFFFFFF  }
0x98: {  	s19 =	sld [smem:$0x3FDB];
	_ =	sdelay $0x1  }
0x99: {  	s4 =	simm.s32 $_scs_section_size  }
0x9a: {  	s5 =	simm.s32 $_size__tile_overlayer_lowered;
	s6 =	simm.s32 $_tile_overlayer_lowered  }
0x9b: {  	s22 =	simm.s32 $0x1BFF;
	s21 =	sshll.u32 s6, $0x1;
	s3 =	sadd.s32 s4, s19  }
0x9c: {  	s7 =	simm.s32 $0x0;
	s20 =	sshll.u32 s5, $0x1;
	s5 =	sadd.s32 s21, s3  }
0x9d: {  	[timem:s7], [sflag:s22] =	dma.local [hbm:s5], s20  }
0x9e: {  	_ =	swait.ge [sflag:s22], s20  }
0x9f: {  	s4 =	ssub.s32 $0x0, s20;
	[sflag:s22] =	ssyncset.done $0x0  }
0xa0: {  	[sflag:s22] =	ssyncadd.s32 s4;
	_ =	sdelay $0x1  }
0xa1: {  	s23 =	simm.s32 $0x1B8B  }
0xa2: {  	_ =	swait.ge [sflag:s23], $0x1  }
0xa3: {  	[sflag:s23] =	ssyncset.done $0x0  }
0xa4: {  	s25 =	simm.s32 $0x1B8E;
	s24 =	sld [smem:$0x3FFE];
	[sflag:s23] =	ssyncadd.s32 $0xFFFFFFFF  }
0xa5: {  	s26 =	simm.s32 $execute0_lowered;
	[smem:$0x3FD2] =	sst s25  }
0xa6: {  	s5 =	sshll.u32 s26, $0x1;
	_ =	strace $0x80000049;
	[dreg:$0x1] =	wrdreg $0xFFFFFFFF  }
0xa7: {  	s28 =	simm.s32 $_size_execute0_lowered;
	s3 =	sadd.s32 s3, s5;
	[dreg:$0x0] =	wrdreg $0x0  }
0xa8: {  	s5 =	sshll.u32 s28, $0x1;
	[dreg:$0x2] =	wrdreg s3  }
0xa9: {  	[dreg:$0x3] =	wrdreg s5  }
0xaa: {  	[dreg:$0x4] =	wrdreg $0xC0  }
0xab: {  	_ =	task [dreg:s7], $0x5FFFF  }
0xac: {  	[dreg:$0x1] =	wrdreg $0xFFFFFFFF  }
0xad: {  	[dreg:$0x0] =	wrdreg $0x60  }
0xae: {  	[dreg:$0x2] =	wrdreg s24  }
0xaf: {  	[dreg:$0x3] =	wrdreg s2  }
0xb0: {  	[dreg:$0x4] =	wrdreg $0x6E000  }
0xb1: {  	[dreg:$0x5] =	wrdreg $0x132000  }
0xb2: {  	[dreg:$0x6] =	wrdreg $0x9  }
0xb3: {  	_ =	task.clear_ibuf [dreg:s7], $0x7FFFF;
	_ =	strace $0x90000049  }
0xb4: {  	s29 =	simm.s32 $0x9;
	_ =	strace $0x8000004B  }
0xb5: {  	_ =	swait.ge [sflag:s29], $0x1  }
0xb6: {  	[sflag:s29] =	ssyncadd.s32 $0xFFFFFFFF  }
0xb7: {  	_ =	strace $0x9000004B  }
0xb8: {  	_ =	sfence  }
0xb9: {  	s30 =	sld [smem:$0x0];
	_ =	sdelay $0x2  }
0xba: {  	s31 =	sshll.u32 s1, $0xD;
	s1 =	sshrl.u32 s1, $0x2  }
0xbb: {  	s3 =	sand.u32 $0x4000, s31;
	s1 =	sadd.s32 s1, s30  }
0xbc: {  	s0 =	sor.u32 s3, s0;
	s1 =	sshll.u32 s1, $0x11  }
0xbd: {  	s0 =	sor.u32 s1, s0  }
0xbe: {  	s0 =	sadd.s32 $0x8F2B, s0  }
0xbf: {  	[sflag:s0] =	ssyncadd.remote.s32 $0x1  }
0xc0: {  	_ =	sfence.sel $0xFFFF  }
0xc1: {  	[dreg:$0x0] =	wrdreg $0xFFFFFFFF;
	(pc) =	sbr.abs _section_cstart, $3  }
0xc2: {  	[dreg:$0x1] =	wrdreg $0xFFFFFFFF  }
0xc3: {  	_ =	task.clear_ibuf [dreg:s7], $0x2FFFF;
	_ =	strace $0x9FFFFFFF  }
0xc4: {  	(tm) =	ssettm $0x7FFFFFFF  }
0xc5: {  	_ =	shalt  }
tec
execute0_lowered:
.L_overlay_start_1:
0x0: {  	(tag) =	ssettag $0x1  }
0x1: {  	s0 =	rddreg [dreg:$0x0]  }
0x2: {  	s4 =	rddreg [dreg:$0x1]  }
0x3: {  	s1 =	rddreg [dreg:$0x2]  }
0x4: {  	s2 =	rddreg [dreg:$0x3];
	s3 =	simm.s32 $0x0;
	s6 =	srdreg.scid  }
0x5: {  	s14 =	stileid.u32;
	s28 =	simm.s32 $0x4200;
	s29 =	simm.s32 $0x2  }
0x6: {  	s30 =	simm.s32 $0x3;
	s31 =	simm.s32 $0x4;
	[smem:$0x7FF] =	sst s3  }
0x7: {  	s5 =	sadd.s32 $0x66400, s0;
	s7 =	sand.u32 $0x1, s6;
	s8 =	smul.u32 $0x1880, s14  }
0x8: {  	s6 =	sadd.s32 $0x2E00, s0;
	s11 =	smul.u32 $0xC400, s14;
	s12 =	sadd.s32 $0xC9400, s0  }
0x9: {  	s21 =	sshll.u32 s14, $0x6;
	_ =	strace $0x8000004A;
	s9 =	sshll.u32 s7, $0x4  }
0xa: {  	s10 =	ssub.s32 $0x2, s7;
	[dreg:$0x5] =	wrdreg s12;
	s20 =	smul.u32 $0x18800, s7  }
0xb: {  	s7 =	smul.u32 $0x18C000, s7;
	s9 =	sor.u32 s14, s9;
	s19 =	sshrl.u32 s10, $0x1  }
0xc: {  	s0 =	sadd.s32 s8, s0;
	s8 =	sor.u32 $0x1C05, s21;
	s14 =	smul.u32 $0x18C00, s14  }
0xd: {  	s22 =	sshrl.u32 s11, $0x3;
	s21 =	sadd.s32 s11, s2;
	s13 =	smul.u32 $0x18C00, s9  }
0xe: {  	s12 =	ssub.s32 s10, s19;
	s19 =	sadd.s32 s11, s1;
	s4 =	sadd.s32 s4, s22  }
0xf: {  	s0 =	sadd.s32 s20, s0;
	s20 =	simm.s32 $0x5;
	s21 =	sshrl.u32 s21, $0x3  }
0x10: {  	s22 =	simm.s32 $0xB00;
	[dreg:$0x6] =	wrdreg s4;
	s0 =	sadd.s32 $0xCAE00, s0  }
0x11: {  	s24 =	sadd.s32 s14, s7;
	s25 =	smax.u32 s12, $0x1;
	[dreg:$0x7] =	wrdreg s0  }
0x12: {  	s19 =	sshrl.u32 s19, $0x3;
	s23 =	sshrl.u32 s13, $0x3;
	[dreg:$0x8] =	wrdreg s25  }
0x13: {  	s26 =	sadd.s32 $0x1080, s24;
	s18 =	sadd.s32 $0xB00, s24;
	s24 =	simm.s32 $0x1600  }
0x14: {  	s25 =	simm.s32 $0x1;
	s12 =	sadd.s32 s5, s23;
	s13 =	sadd.s32 s6, s23  }
0x15: {  	s0 =	sadd.s32 $0xB0, s23;
	s7 =	sshrl.u32 s26, $0x3;
	s23 =	simm.s32 $0x580  }
0x16: {  	s26 =	simm.s32 $0x1080;
	s14 =	sadd.s32 s5, s0;
	s15 =	sadd.s32 s6, s0  }
0x17: {  	s16 =	sadd.s32 s7, s6;
	s17 =	sadd.s32 s7, s5;
	s0 =	simm.s32 $0x0  }
.LBB2_1:
0x18: {  	s4 =	rddreg [dreg:$0x5]  }
0x19: {  	[spmem:s19], [sflag:s8] =	dma.local [hbm:s4], $0x1880  }
0x1a: {  	_ =	swait.ge [sflag:s20], $0x1880  }
0x1b: {  	[sflag:s20] =	ssyncset.done $0x0  }
0x1c: {  	s7 =	rddreg [dreg:$0x6];
	[sflag:s20] =	ssyncadd.s32 $0xFFFFE780  }
0x1d: {  	[spmem:s21], [sflag:s8] =	dma.local [hbm:s7], $0x1880  }
0x1e: {  	_ =	swait.ge [sflag:s20], $0x1880  }
0x1f: {  	[sflag:s20] =	ssyncset.done $0x0  }
0x20: {  	[sflag:s20] =	ssyncadd.s32 $0xFFFFE780  }
0x21: {  	[bflag:$0x0] =	sbarrier.arrive $0xFFFF  }
0x22: {  	[tilespmem:s3], [sflag:$0x5] =	stream.linear.gather [hbm4b:s12+s3], $0x580, $0x38;
	[tilespmem:$0x1F600] =	vst v63  }
0x23: {  	_ =	swait.ge [sflag:s20], $0x580  }
0x24: {  	[sflag:s20] =	ssyncset.done $0x0  }
0x25: {  	[sflag:s20] =	ssyncadd.s32 $0xFFFFFA80  }
0x26: {  	[tilespmem:s22], [sflag:$0x5] =	stream.linear.gather [hbm4b:s13+s3], $0x580, $0x38;
	[tilespmem:$0x1F600] =	vst v63  }
0x27: {  	_ =	swait.ge [sflag:s20], $0x580  }
0x28: {  	[sflag:s20] =	ssyncset.done $0x0  }
0x29: {  	[sflag:s20] =	ssyncadd.s32 $0xFFFFFA80  }
0x2a: {  	[tilespmem:s24], [sflag:$0x1] =	stream.indirect.gather [spmem:s2], $0x8, s3, s23, $0xb8;
	[tilespmem:$0x1F600] =	vst v63  }
0x2b: {  	_ =	swait.ge [sflag:s25], $0x2C00  }
0x2c: {  	[sflag:s25] =	ssyncset.done $0x0  }
0x2d: {  	[sflag:s25] =	ssyncadd.s32 $0xFFFFD400  }
0x2e: {  	[spmem:s1] =	stream.indirect.scatter.add.f32 [tilespmem:s24], [sflag:$0x3], $0x8, s22, s23, $0xb8;
	[tilespmem:$0x1F600] =	vst v63  }
0x2f: {  	_ = 	snop  }
0x30: {  	[tilespmem:s23], [sflag:$0x5] =	stream.linear.gather [hbm4b:s14+s3], $0x580, $0x38;
	[tilespmem:$0x1F600] =	vst v63  }
0x31: {  	_ =	swait.ge [sflag:s20], $0x580  }
0x32: {  	[sflag:s20] =	ssyncset.done $0x0  }
0x33: {  	[sflag:s20] =	ssyncadd.s32 $0xFFFFFA80  }
0x34: {  	[tilespmem:s26], [sflag:$0x5] =	stream.linear.gather [hbm4b:s15+s3], $0x580, $0x38;
	[tilespmem:$0x1F600] =	vst v63  }
0x35: {  	_ =	swait.ge [sflag:s20], $0x580  }
0x36: {  	[sflag:s20] =	ssyncset.done $0x0  }
0x37: {  	[sflag:s20] =	ssyncadd.s32 $0xFFFFFA80  }
0x38: {  	[tilespmem:s28], [sflag:$0x2] =	stream.indirect.gather [spmem:s2], $0x8, s23, s23, $0xb8;
	[tilespmem:$0x1F600] =	vst v63  }
0x39: {  	_ =	swait.ge [sflag:s29], $0x2C00  }
0x3a: {  	[sflag:s29] =	ssyncset.done $0x0  }
0x3b: {  	[sflag:s29] =	ssyncadd.s32 $0xFFFFD400  }
0x3c: {  	[spmem:s1] =	stream.indirect.scatter.add.f32 [tilespmem:s28], [sflag:$0x4], $0x8, s26, s23, $0xb8;
	[tilespmem:$0x1F600] =	vst v63  }
0x3d: {  	_ =	swait.ge [sflag:s30], $0x2C00  }
0x3e: {  	s9 =	sshrl.u32 s18, $0x3;
	[sflag:s30] =	ssyncset.done $0x0  }
0x3f: {  	s7 =	sadd.s32 s5, s9;
	[sflag:s30] =	ssyncadd.s32 $0xFFFFD400  }
0x40: {  	[tilespmem:s3], [sflag:$0x5] =	stream.linear.gather [hbm4b:s7+s3], $0x580, $0x38;
	[tilespmem:$0x1F600] =	vst v63  }
0x41: {  	_ =	swait.ge [sflag:s20], $0x580  }
0x42: {  	[sflag:s20] =	ssyncset.done $0x0  }
0x43: {  	s4 =	sadd.s32 s6, s9;
	[sflag:s20] =	ssyncadd.s32 $0xFFFFFA80  }
0x44: {  	[tilespmem:s22], [sflag:$0x5] =	stream.linear.gather [hbm4b:s4+s3], $0x580, $0x38;
	[tilespmem:$0x1F600] =	vst v63  }
0x45: {  	_ =	swait.ge [sflag:s20], $0x580  }
0x46: {  	[sflag:s20] =	ssyncset.done $0x0  }
0x47: {  	[sflag:s20] =	ssyncadd.s32 $0xFFFFFA80  }
0x48: {  	[tilespmem:s24], [sflag:$0x1] =	stream.indirect.gather [spmem:s2], $0x8, s3, s23, $0xb8;
	[tilespmem:$0x1F600] =	vst v63  }
0x49: {  	_ =	swait.ge [sflag:s25], $0x2C00  }
0x4a: {  	[sflag:s25] =	ssyncset.done $0x0  }
0x4b: {  	[sflag:s25] =	ssyncadd.s32 $0xFFFFD400  }
0x4c: {  	[spmem:s1] =	stream.indirect.scatter.add.f32 [tilespmem:s24], [sflag:$0x3], $0x8, s22, s23, $0xb8;
	[tilespmem:$0x1F600] =	vst v63  }
0x4d: {  	_ =	swait.ge [sflag:s31], $0x2C00  }
0x4e: {  	[sflag:s31] =	ssyncset.done $0x0  }
0x4f: {  	s10 =	sadd.s32 $0x0, s17;
	[sflag:s31] =	ssyncadd.s32 $0xFFFFD400  }
0x50: {  	[tilespmem:s23], [sflag:$0x5] =	stream.linear.gather [hbm4b:s10+s3], $0x580, $0x38;
	[tilespmem:$0x1F600] =	vst v63  }
0x51: {  	_ =	swait.ge [sflag:s20], $0x580  }
0x52: {  	[sflag:s20] =	ssyncset.done $0x0  }
0x53: {  	s11 =	sadd.s32 $0x0, s16;
	[sflag:s20] =	ssyncadd.s32 $0xFFFFFA80  }
0x54: {  	[tilespmem:s26], [sflag:$0x5] =	stream.linear.gather [hbm4b:s11+s3], $0x580, $0x38;
	[tilespmem:$0x1F600] =	vst v63  }
0x55: {  	_ =	swait.ge [sflag:s20], $0x580  }
0x56: {  	[sflag:s20] =	ssyncset.done $0x0  }
0x57: {  	[sflag:s20] =	ssyncadd.s32 $0xFFFFFA80  }
0x58: {  	[tilespmem:s28], [sflag:$0x2] =	stream.indirect.gather [spmem:s2], $0x8, s23, s23, $0xb8;
	[tilespmem:$0x1F600] =	vst v63  }
0x59: {  	_ =	swait.ge [sflag:s29], $0x2C00  }
0x5a: {  	[sflag:s29] =	ssyncset.done $0x0  }
0x5b: {  	s7 =	sadd.s32 $0xB00, s18;
	s4 =	simm.s32 $0x160;
	[sflag:s29] =	ssyncadd.s32 $0xFFFFD400  }
.LBB2_2:
0x5c: {  	[spmem:s1] =	stream.indirect.scatter.add.f32 [tilespmem:s28], [sflag:$0x4], $0x8, s26, s23, $0xb8;
	[tilespmem:$0x1F600] =	vst v63  }
0x5d: {  	s9 =	smov.u32 s4  }
0x5e: {  	p0 =	sne.s32 s4, $0x2EC0;
	s4 =	sadd.s32 $0x160, s4;
	_ =	swait.ge [sflag:s30], $0x2C00  }
0x5f: {  	s10 =	sshrl.u32 s7, $0x3;
	[sflag:s30] =	ssyncset.done $0x0  }
0x60: {  	s11 =	sadd.s32 s5, s10;
	[sflag:s30] =	ssyncadd.s32 $0xFFFFD400  }
0x61: {  	[tilespmem:s3], [sflag:$0x5] =	stream.linear.gather [hbm4b:s11+s3], $0x580, $0x38;
	[tilespmem:$0x1F600] =	vst v63  }
0x62: {  	_ =	swait.ge [sflag:s20], $0x580  }
0x63: {  	[sflag:s20] =	ssyncset.done $0x0  }
0x64: {  	s10 =	sadd.s32 s6, s10;
	[sflag:s20] =	ssyncadd.s32 $0xFFFFFA80  }
0x65: {  	[tilespmem:s22], [sflag:$0x5] =	stream.linear.gather [hbm4b:s10+s3], $0x580, $0x38;
	[tilespmem:$0x1F600] =	vst v63  }
0x66: {  	_ =	swait.ge [sflag:s20], $0x580  }
0x67: {  	[sflag:s20] =	ssyncset.done $0x0  }
0x68: {  	[sflag:s20] =	ssyncadd.s32 $0xFFFFFA80  }
0x69: {  	[tilespmem:s24], [sflag:$0x1] =	stream.indirect.gather [spmem:s2], $0x8, s3, s23, $0xb8;
	[tilespmem:$0x1F600] =	vst v63  }
0x6a: {  	_ =	swait.ge [sflag:s25], $0x2C00  }
0x6b: {  	[sflag:s25] =	ssyncset.done $0x0  }
0x6c: {  	[sflag:s25] =	ssyncadd.s32 $0xFFFFD400  }
0x6d: {  	[spmem:s1] =	stream.indirect.scatter.add.f32 [tilespmem:s24], [sflag:$0x3], $0x8, s22, s23, $0xb8;
	[tilespmem:$0x1F600] =	vst v63  }
0x6e: {  	_ =	swait.ge [sflag:s31], $0x2C00  }
0x6f: {  	[sflag:s31] =	ssyncset.done $0x0  }
0x70: {  	s10 =	sadd.s32 s9, s17;
	[sflag:s31] =	ssyncadd.s32 $0xFFFFD400  }
0x71: {  	[tilespmem:s23], [sflag:$0x5] =	stream.linear.gather [hbm4b:s10+s3], $0x580, $0x38;
	[tilespmem:$0x1F600] =	vst v63  }
0x72: {  	_ =	swait.ge [sflag:s20], $0x580  }
0x73: {  	[sflag:s20] =	ssyncset.done $0x0  }
0x74: {  	s9 =	sadd.s32 s9, s16;
	[sflag:s20] =	ssyncadd.s32 $0xFFFFFA80  }
0x75: {  	[tilespmem:s26], [sflag:$0x5] =	stream.linear.gather [hbm4b:s9+s3], $0x580, $0x38;
	[tilespmem:$0x1F600] =	vst v63  }
0x76: {  	_ =	swait.ge [sflag:s20], $0x580  }
0x77: {  	[sflag:s20] =	ssyncset.done $0x0  }
.Ltmp0:
0x78: {  	[sflag:s20] =	ssyncadd.s32 $0xFFFFFA80;
	(pc) =	sbr.rel @p0 .LBB2_2-.Ltmp0, $4  }
0x79: {  	[tilespmem:s28], [sflag:$0x2] =	stream.indirect.gather [spmem:s2], $0x8, s23, s23, $0xb8;
	[tilespmem:$0x1F600] =	vst v63  }
0x7a: {  	_ =	swait.ge [sflag:s29], $0x2C00  }
0x7b: {  	[sflag:s29] =	ssyncset.done $0x0  }
0x7c: {  	s7 =	sadd.s32 $0xB00, s7;
	[sflag:s29] =	ssyncadd.s32 $0xFFFFD400  }
0x7d: {  	[spmem:s1] =	stream.indirect.scatter.add.f32 [tilespmem:s28], [sflag:$0x4], $0x8, s26, s23, $0xb8;
	[tilespmem:$0x1F600] =	vst v63  }
0x7e: {  	_ =	swait.ge [sflag:s30], $0x2C00  }
0x7f: {  	[sflag:s30] =	ssyncset.done $0x0  }
0x80: {  	[sflag:s30] =	ssyncadd.s32 $0xFFFFD400  }
0x81: {  	_ =	swait.ge [sflag:s31], $0x2C00  }
0x82: {  	[sflag:s31] =	ssyncset.done $0x0  }
0x83: {  	[sflag:s31] =	ssyncadd.s32 $0xFFFFD400  }
0x84: {  	[bflag:$0x0] =	sbarrier.arrive $0xFFFF  }
0x85: {  	s4 =	rddreg [dreg:$0x7]  }
0x86: {  	[hbm:s4], [sflag:s8] =	dma.local [spmem:s19], $0x1880  }
0x87: {  	_ =	swait.ge [sflag:s20], $0x1880  }
0x88: {  	s0 =	sadd.s32 $0x1, s0;
	s11 =	rddreg [dreg:$0x8]  }
0x89: {  	p0 =	sne.s32 s0, s11  }
.Ltmp1:
0x8a: {  	_ = 	snop;
	(pc) =	sbr.rel @p0 .LBB2_1-.Ltmp1, $3  }
0x8b: {  	_ =	sdelay $0x1  }
0x8c: {  	[sflag:s20] =	ssyncset.done $0x0  }
0x8d: {  	[sflag:s20] =	ssyncadd.s32 $0xFFFFE780  }
0x8e: {  	_ =	sfence.sel $0x180000  }
0x8f: {  	[bflag:$0x0] =	sbarrier.arrive $0xFFFF  }
0x90: {  	_ =	strace $0x9000004A  }
0x91: {  	s0 =	stileid.u32;
	[bflag:$0x2] =	sbarrier.arrive $0xFFFF  }
0x92: {  	p0 =	sne.s32 s0, $0x0;
	s0 =	rddreg [dreg:$0x4]  }
0x93: {  	s0 =	sadd.s32 @!p0 $0x100000, s0  }
0x94: {  	[sflag:s0] =	ssyncadd.tile.s32 @!p0 $0x1;
	_ =	shalt  }
.Lfunc_end2:
_tile_overlayer_lowered:
.L_overlay_start_2:
0x95: {  	(tag) =	ssettag $0x2  }
0x96: {  	s0 =	rddreg [dreg:$0x0];
	s2 =	stileid.u32  }
0x97: {  	s1 =	rddreg [dreg:$0x1];
	p0 =	sne.s32 s2, $0x0  }
0x98: {  	s3 =	rddreg [dreg:$0x2];
	[bflag:$0x3] =	sbarrier.arrive $0xFFFF;
	s2 =	simm.s32 @!p0 $0x1C05  }
0x99: {  	[timem:s3], [sflag:s2] =	dma.local @!p0 [hbm:s0], s1  }
0x9a: {  	s0 =	simm.s32 @!p0 $0x5  }
0x9b: {  	_ =	swait.ge @!p0 [sflag:s0], s1  }
0x9c: {  	s1 =	ssub.s32 @!p0 $0x0, s1;
	[sflag:s0] =	ssyncset.done @!p0 $0x0  }
0x9d: {  	[sflag:s0] =	ssyncadd.s32 @!p0 s1  }
0x9e: {  	[bflag:$0x3] =	sbarrier.arrive $0xFFFF  }
0x9f: {  	_ =	shalt  }

// kernel: kernel.15.cloned.1.call-start
scs
__scs_entry_jumppad:
0x0: {  	(pc) =	sbr.rel $0x88, $3  }
0x1: {  	(tag) =	ssettag $0x0;
	lr =	simm.s32 $0x1  }
0x2: {  	[smem:$0x3F9B] =	sst lr;
	_ =	strace $0xD0000000  }
0x3: {  	_ = 	snop  }
0x4: {  	_ = 	snop  }
0x5: {  	_ = 	snop  }
0x6: {  	_ = 	snop  }
0x7: {  	_ = 	snop  }
__scs_overlays_trampoline_lowered:
0x8: {  	[smem:$0x3FAA] =	sst s0  }
0x9: {  	[smem:$0x3FAB] =	sst s1  }
0xa: {  	[smem:$0x3FAC] =	sst s2  }
0xb: {  	[smem:$0x3FAD] =	sst s3  }
0xc: {  	[smem:$0x3FAE] =	sst s4  }
0xd: {  	[smem:$0x3FAF] =	sst s5  }
0xe: {  	[smem:$0x3FB0] =	sst s6  }
0xf: {  	[smem:$0x3FB1] =	sst s7  }
0x10: {  	[smem:$0x3FB2] =	sst s8  }
0x11: {  	[smem:$0x3FB3] =	sst s9;
	s0 =	simm.s32 @!p0 $0x0  }
0x12: {  	s1 =	sld [smem:$0x3F99];
	s0 =	simm.s32 @p0 $0x1  }
0x13: {  	[smem:$0x3FB4] =	sst s0;
	s0 =	simm.s32 @!p1 $0x0  }
0x14: {  	s2 =	sld [smem:$0x3F98];
	s0 =	simm.s32 @p1 $0x1  }
0x15: {  	[smem:$0x3FB5] =	sst s0;
	s0 =	simm.s32 @!p2 $0x0  }
0x16: {  	s3 =	sld [smem:$0x3FDB];
	s0 =	simm.s32 @p2 $0x1  }
0x17: {  	s4 =	simm.s32 $0x1BF5;
	[smem:$0x3FB7] =	sst s0  }
0x18: {  	s0 =	sld [smem:$0x3F9A];
	_ =	swait.ge [sflag:s4], $0x0  }
0x19: {  	s7 =	sld [smem:$0x3F9B]  }
0x1a: {  	s8 =	sadd.s32 $0xFFFFE003, lr  }
0x1b: {  	s9 =	sadd.s32 $0xFFFFFEF7, lr;
	s5 =	simm.s32 $0xFFFFFFFF;
	p2 =	slt.u32 s8, $0xFFFFF086  }
0x1c: {  	p1 =	slt.u32 s9, $0xF7A;
	s5 =	simm.s32 @!p2 $0x0  }
0x1d: {  	s5 =	simm.s32 @p1 $0x1;
	p0 =	seq.s32 s7, s2  }
0x1e: {  	s7 =	smul.u32 @!p0 $0xF7A, s2;
	p2 =	seq.s32 @!p0 s5, $0x0  }
0x1f: {  	s9 =	smul.u32 $0xF7A, s1;
	s8 =	simm.s32 @!p0 $0x1BF5;
	p2 =	por !p2, p0  }
0x20: {  	[sflag:s8] =	ssyncset.s32 @!p0 $0xFFFFF086;
	s6 =	sadd.s32 @!p0 s3, s7;
	s7 =	simm.s32 @!p0 $0x108  }
0x21: {  	s3 =	sadd.s32 s3, s9;
	s6 =	sadd.s32 @!p0 $0x88, s6;
	s7 =	simm.s32 @p2 $0x1082  }
0x22: {  	[simem:s7], [sflag:s8] =	dma.local @!p0 [hbm:s6], $0xF7A  }
0x23: {  	s9 =	sor.u32 $0xD0000000, s2;
	s6 =	simm.s32 $0x108;
	_ =	swait.ge @!p0 [sflag:s8], $0x0  }
0x24: {  	s3 =	sadd.s32 $0x88, s3;
	s6 =	simm.s32 @!p1 $0x1082;
	[sflag:s4] =	ssyncset.s32 $0xFFFFF086  }
0x25: {  	[simem:s6], [sflag:s4] =	dma.local [hbm:s3], $0xF7A  }
0x26: {  	[smem:$0x3F9B] =	sst s1;
	(tag) =	ssettag s2;
	_ =	strace s9  }
0x27: {  	s1 =	sld [smem:$0x3FAB]  }
0x28: {  	s2 =	sld [smem:$0x3FAC]  }
0x29: {  	s4 =	sld [smem:$0x3FAE]  }
0x2a: {  	p0 =	seq.s32 s5, $0x0;
	s5 =	sld [smem:$0x3FAF]  }
0x2b: {  	s6 =	sld [smem:$0x3FB0]  }
0x2c: {  	s7 =	sld [smem:$0x3FB1]  }
0x2d: {  	s3 =	simm.s32 $0x108;
	s8 =	sld [smem:$0x3FB2]  }
0x2e: {  	s3 =	simm.s32 @!p0 $0x1082;
	s9 =	sld [smem:$0x3FB3]  }
0x2f: {  	lr =	sadd.s32 s0, s3;
	s0 =	sld [smem:$0x3FAA]  }
0x30: {  	s3 =	sld [smem:$0x3FAD]  }
0x31: {  	[smem:$0x3FB6] =	sst s10  }
0x32: {  	s10 =	sld [smem:$0x3FB4];
	_ =	sdelay $0x3  }
0x33: {  	p0 =	seq.s32 s10, $0x1;
	s10 =	sld [smem:$0x3FB6];
	_ =	sdelay $0x3  }
0x34: {  	[smem:$0x3FB6] =	sst s10  }
0x35: {  	s10 =	sld [smem:$0x3FB5];
	_ =	sdelay $0x3  }
0x36: {  	p1 =	seq.s32 s10, $0x1;
	s10 =	sld [smem:$0x3FB6];
	_ =	sdelay $0x3  }
0x37: {  	[smem:$0x3FB6] =	sst s10  }
0x38: {  	s10 =	sld [smem:$0x3FB7]  }
0x39: {  	_ = 	snop;
	(pc) =	sbr.ind lr, $3  }
0x3a: {  	_ = 	snop  }
0x3b: {  	_ = 	snop  }
0x3c: {  	p2 =	seq.s32 s10, $0x1;
	s10 =	sld [smem:$0x3FB6]  }
0x3d: {  	_ =	shalt  }
0x3e: {  	_ =	shalt  }
0x3f: {  	_ =	shalt  }
0x40: {  	_ =	shalt  }
0x41: {  	_ =	shalt  }
0x42: {  	_ =	shalt  }
0x43: {  	_ =	shalt  }
0x44: {  	_ =	shalt  }
0x45: {  	_ =	shalt  }
0x46: {  	_ =	shalt  }
0x47: {  	_ =	shalt  }
0x48: {  	_ =	shalt  }
0x49: {  	_ =	shalt  }
0x4a: {  	_ =	shalt  }
0x4b: {  	_ =	shalt  }
0x4c: {  	_ =	shalt  }
0x4d: {  	_ =	shalt  }
0x4e: {  	_ =	shalt  }
0x4f: {  	_ =	shalt  }
0x50: {  	_ =	shalt  }
0x51: {  	_ =	shalt  }
0x52: {  	_ =	shalt  }
0x53: {  	_ =	shalt  }
0x54: {  	_ =	shalt  }
0x55: {  	_ =	shalt  }
0x56: {  	_ =	shalt  }
0x57: {  	_ =	shalt  }
0x58: {  	_ =	shalt  }
0x59: {  	_ =	shalt  }
0x5a: {  	_ =	shalt  }
0x5b: {  	_ =	shalt  }
0x5c: {  	_ =	shalt  }
0x5d: {  	_ =	shalt  }
0x5e: {  	_ =	shalt  }
0x5f: {  	_ =	shalt  }
0x60: {  	_ =	shalt  }
0x61: {  	_ =	shalt  }
0x62: {  	_ =	shalt  }
0x63: {  	_ =	shalt  }
0x64: {  	_ =	shalt  }
0x65: {  	_ =	shalt  }
0x66: {  	_ =	shalt  }
0x67: {  	_ =	shalt  }
0x68: {  	_ =	shalt  }
0x69: {  	_ =	shalt  }
0x6a: {  	_ =	shalt  }
0x6b: {  	_ =	shalt  }
0x6c: {  	_ =	shalt  }
0x6d: {  	_ =	shalt  }
0x6e: {  	_ =	shalt  }
0x6f: {  	_ =	shalt  }
0x70: {  	_ =	shalt  }
0x71: {  	_ =	shalt  }
0x72: {  	_ =	shalt  }
0x73: {  	_ =	shalt  }
0x74: {  	_ =	shalt  }
0x75: {  	_ =	shalt  }
0x76: {  	_ =	shalt  }
0x77: {  	_ =	shalt  }
0x78: {  	_ =	shalt  }
0x79: {  	_ =	shalt  }
0x7a: {  	_ =	shalt  }
0x7b: {  	_ =	shalt  }
0x7c: {  	_ =	shalt  }
0x7d: {  	_ =	shalt  }
0x7e: {  	_ =	shalt  }
0x7f: {  	_ =	shalt  }
0x80: {  	_ =	shalt  }
0x81: {  	_ =	shalt  }
0x82: {  	_ =	shalt  }
0x83: {  	_ =	shalt  }
0x84: {  	_ =	shalt  }
0x85: {  	_ =	shalt  }
0x86: {  	_ =	shalt  }
0x87: {  	_ =	shalt  }
.Lfunc_end0:
.L_simem_size_0:
called_computation.2_lowered:
.L_overlay_start_0:
0x88: {  	s2 =	sld [smem:$0x3FD9]  }
0x89: {  	s3 =	sld [smem:$0x3FFE];
	_ =	sdelay $0x1  }
0x8a: {  	s1 =	srdreg.scid  }
0x8b: {  	s0 =	sand.u32 $0x1, s1  }
0x8c: {  	s16 =	sshll.u32 s0, $0xA;
	s2 =	sadd.s32 s3, s2  }
0x8d: {  	s2 =	sadd.s32 s2, s16  }
0x8e: {  	[smem:$0x3FC2] =	sst s2  }
0x8f: {  	_ = 	snop  }
0x90: {  	(tm) =	ssettm $0x1  }
0x91: {  	s17 =	sld [smem:$0x3FFB];
	_ =	sdelay $0x3  }
0x92: {  	_ =	strace s17  }
0x93: {  	s2 =	sld [smem:$0x3FFC];
	_ =	sdelay $0x3  }
0x94: {  	_ =	strace s2  }
0x95: {  	s2 =	sld [smem:$0x3FFD];
	_ =	sdelay $0x3  }
0x96: {  	_ =	strace s2  }
0x97: {  	_ =	strace $0x8FFFFFFF  }
0x98: {  	s18 =	sld [smem:$0x3FDB];
	_ =	sdelay $0x1  }
0x99: {  	s19 =	simm.s32 $_scs_section_size  }
0x9a: {  	s4 =	simm.s32 $_size__tile_overlayer_lowered;
	s5 =	simm.s32 $_tile_overlayer_lowered  }
0x9b: {  	s22 =	simm.s32 $0x1BFF;
	s21 =	sshll.u32 s5, $0x1;
	s2 =	sadd.s32 s19, s18  }
0x9c: {  	s6 =	simm.s32 $0x0;
	s20 =	sshll.u32 s4, $0x1;
	s4 =	sadd.s32 s21, s2  }
0x9d: {  	[timem:s6], [sflag:s22] =	dma.local [hbm:s4], s20  }
0x9e: {  	_ =	swait.ge [sflag:s22], s20  }
0x9f: {  	s3 =	ssub.s32 $0x0, s20;
	[sflag:s22] =	ssyncset.done $0x0  }
0xa0: {  	[sflag:s22] =	ssyncadd.s32 s3;
	_ =	sdelay $0x1  }
0xa1: {  	s23 =	simm.s32 $0x1B8B  }
0xa2: {  	_ =	swait.ge [sflag:s23], $0x1  }
0xa3: {  	[sflag:s23] =	ssyncset.done $0x0  }
0xa4: {  	s25 =	simm.s32 $0x1B8E;
	s24 =	sld [smem:$0x3FFE];
	[sflag:s23] =	ssyncadd.s32 $0xFFFFFFFF  }
0xa5: {  	s26 =	simm.s32 $execute0_lowered;
	[smem:$0x3FD2] =	sst s25  }
0xa6: {  	s4 =	sshll.u32 s26, $0x1;
	_ =	strace $0x8000004C;
	[dreg:$0x1] =	wrdreg $0xFFFFFFFF  }
0xa7: {  	s28 =	simm.s32 $_size_execute0_lowered;
	s2 =	sadd.s32 s2, s4;
	[dreg:$0x0] =	wrdreg $0x0  }
0xa8: {  	s4 =	sshll.u32 s28, $0x1;
	[dreg:$0x2] =	wrdreg s2  }
0xa9: {  	[dreg:$0x3] =	wrdreg s4  }
0xaa: {  	[dreg:$0x4] =	wrdreg $0xC0  }
0xab: {  	_ =	task [dreg:s6], $0x5FFFF  }
0xac: {  	[dreg:$0x1] =	wrdreg $0xFFFFFFFF  }
0xad: {  	[dreg:$0x0] =	wrdreg $0x60  }
0xae: {  	[dreg:$0x2] =	wrdreg s24  }
0xaf: {  	[dreg:$0x3] =	wrdreg $0x6E000  }
0xb0: {  	[dreg:$0x4] =	wrdreg $0x132000  }
0xb1: {  	[dreg:$0x5] =	wrdreg $0x9  }
0xb2: {  	_ =	task.clear_ibuf [dreg:s6], $0x6FFFF;
	_ =	strace $0x9000004C  }
0xb3: {  	s29 =	simm.s32 $0x9;
	_ =	strace $0x8000004E  }
0xb4: {  	_ =	swait.ge [sflag:s29], $0x1  }
0xb5: {  	[sflag:s29] =	ssyncadd.s32 $0xFFFFFFFF  }
0xb6: {  	_ =	strace $0x9000004E  }
0xb7: {  	_ =	sfence  }
0xb8: {  	s30 =	sld [smem:$0x0];
	_ =	sdelay $0x2  }
0xb9: {  	s31 =	sshll.u32 s1, $0xD;
	s1 =	sshrl.u32 s1, $0x2  }
0xba: {  	s3 =	sand.u32 $0x4000, s31;
	s1 =	sadd.s32 s1, s30  }
0xbb: {  	s0 =	sor.u32 s3, s0;
	s1 =	sshll.u32 s1, $0x11  }
0xbc: {  	s0 =	sor.u32 s1, s0  }
0xbd: {  	s0 =	sadd.s32 $0x8F2B, s0  }
0xbe: {  	[sflag:s0] =	ssyncadd.remote.s32 $0x1  }
0xbf: {  	_ =	sfence.sel $0xFFFF  }
0xc0: {  	[dreg:$0x0] =	wrdreg $0xFFFFFFFF;
	(pc) =	sbr.abs _section_cstart, $3  }
0xc1: {  	[dreg:$0x1] =	wrdreg $0xFFFFFFFF  }
0xc2: {  	_ =	task.clear_ibuf [dreg:s6], $0x2FFFF;
	_ =	strace $0x9FFFFFFF  }
0xc3: {  	(tm) =	ssettm $0x7FFFFFFF  }
tec
execute0_lowered:
.L_overlay_start_1:
0x0: {  	(tag) =	ssettag $0x1  }
0x1: {  	s5 =	rddreg [dreg:$0x0]  }
0x2: {  	s1 =	rddreg [dreg:$0x1]  }
0x3: {  	s2 =	rddreg [dreg:$0x2];
	s4 =	srdreg.scid;
	s3 =	simm.s32 $0x0  }
0x4: {  	s0 =	stileid.u32;
	s20 =	simm.s32 $0x580;
	s21 =	simm.s32 $0x1600  }
0x5: {  	s22 =	simm.s32 $0x1;
	s23 =	simm.s32 $0x1080;
	s24 =	simm.s32 $0x4200  }
0x6: {  	s25 =	simm.s32 $0x2;
	s26 =	simm.s32 $0x3;
	s9 =	smul.u32 $0xC400, s0  }
0x7: {  	s28 =	simm.s32 $0x4;
	s29 =	simm.s32 $0x0;
	s10 =	smul.u32 $0x1880, s0  }
0x8: {  	s6 =	sand.u32 $0x1, s4;
	[smem:$0x7FF] =	sst s3;
	s11 =	smul.u32 $0x31800, s0  }
0x9: {  	s14 =	sadd.s32 $0x66400, s5;
	s13 =	sadd.s32 $0x2E00, s5;
	s16 =	smul.u32 $0x6300, s0  }
0xa: {  	s30 =	sshll.u32 s0, $0x6;
	s4 =	smul.u32 $0x18800, s6;
	s6 =	ssub.s32 $0x2, s6  }
0xb: {  	_ =	strace $0x8000004D;
	s8 =	sshrl.u32 s6, $0x1;
	s15 =	sadd.s32 s9, s1  }
0xc: {  	s18 =	sadd.s32 s9, s2;
	s19 =	sshrl.u32 s9, $0x3;
	s12 =	sor.u32 $0x580, s11  }
0xd: {  	s31 =	sshrl.u32 s11, $0x3;
	s7 =	sadd.s32 s4, s5;
	s5 =	sadd.s32 $0xC9400, s5  }
0xe: {  	s8 =	ssub.s32 s6, s8;
	s6 =	sor.u32 $0x1C05, s30;
	s9 =	sadd.s32 s14, s31  }
0xf: {  	s12 =	sshrl.u32 s12, $0x3;
	s15 =	sshrl.u32 s15, $0x3;
	s18 =	sshrl.u32 s18, $0x3  }
0x10: {  	s17 =	sadd.s32 $0xCAE00, s7;
	s7 =	sadd.s32 s10, s7;
	s8 =	smax.u32 s8, $0x1  }
0x11: {  	s10 =	sadd.s32 s13, s31;
	s11 =	sadd.s32 s14, s12;
	s12 =	sadd.s32 s13, s12  }
0x12: {  	s13 =	sadd.s32 s16, s13;
	s14 =	sadd.s32 s16, s14;
	s16 =	simm.s32 $0x5  }
0x13: {  	s7 =	sadd.s32 $0xFBE00, s7;
	s17 =	sadd.s32 s19, s17;
	s19 =	simm.s32 $0xB00  }
.LBB2_1:
0x14: {  	[spmem:s15], [sflag:s6] =	dma.local [hbm:s5], $0x1880  }
0x15: {  	_ =	swait.ge [sflag:s16], $0x1880  }
0x16: {  	[sflag:s16] =	ssyncset.done $0x0  }
0x17: {  	[sflag:s16] =	ssyncadd.s32 $0xFFFFE780  }
0x18: {  	[spmem:s18], [sflag:s6] =	dma.local [hbm:s17], $0x1880  }
0x19: {  	_ =	swait.ge [sflag:s16], $0x1880  }
0x1a: {  	[sflag:s16] =	ssyncset.done $0x0  }
0x1b: {  	[sflag:s16] =	ssyncadd.s32 $0xFFFFE780  }
0x1c: {  	[bflag:$0x0] =	sbarrier.arrive $0xFFFF  }
0x1d: {  	[tilespmem:s3], [sflag:$0x5] =	stream.linear.gather [hbm4b:s9+s3], $0x580, $0x38;
	[tilespmem:$0x1F600] =	vst v63  }
0x1e: {  	_ =	swait.ge [sflag:s16], $0x580  }
0x1f: {  	[sflag:s16] =	ssyncset.done $0x0  }
0x20: {  	[sflag:s16] =	ssyncadd.s32 $0xFFFFFA80  }
0x21: {  	[tilespmem:s19], [sflag:$0x5] =	stream.linear.gather [hbm4b:s10+s3], $0x580, $0x38;
	[tilespmem:$0x1F600] =	vst v63  }
0x22: {  	_ =	swait.ge [sflag:s16], $0x580  }
0x23: {  	[sflag:s16] =	ssyncset.done $0x0  }
0x24: {  	[sflag:s16] =	ssyncadd.s32 $0xFFFFFA80  }
0x25: {  	[tilespmem:s21], [sflag:$0x1] =	stream.indirect.gather [spmem:s2], $0x8, s3, s20, $0xb8;
	[tilespmem:$0x1F600] =	vst v63  }
0x26: {  	_ =	swait.ge [sflag:s22], $0x2C00  }
0x27: {  	[sflag:s22] =	ssyncset.done $0x0  }
0x28: {  	[sflag:s22] =	ssyncadd.s32 $0xFFFFD400  }
0x29: {  	[spmem:s1] =	stream.indirect.scatter.add.f32 [tilespmem:s21], [sflag:$0x3], $0x8, s19, s20, $0xb8;
	[tilespmem:$0x1F600] =	vst v63  }
0x2a: {  	_ = 	snop  }
0x2b: {  	[tilespmem:s20], [sflag:$0x5] =	stream.linear.gather [hbm4b:s11+s3], $0x580, $0x38;
	[tilespmem:$0x1F600] =	vst v63  }
0x2c: {  	_ =	swait.ge [sflag:s16], $0x580  }
0x2d: {  	[sflag:s16] =	ssyncset.done $0x0  }
0x2e: {  	[sflag:s16] =	ssyncadd.s32 $0xFFFFFA80  }
0x2f: {  	[tilespmem:s23], [sflag:$0x5] =	stream.linear.gather [hbm4b:s12+s3], $0x580, $0x38;
	[tilespmem:$0x1F600] =	vst v63  }
0x30: {  	_ =	swait.ge [sflag:s16], $0x580  }
0x31: {  	[sflag:s16] =	ssyncset.done $0x0  }
0x32: {  	[sflag:s16] =	ssyncadd.s32 $0xFFFFFA80  }
0x33: {  	[tilespmem:s24], [sflag:$0x2] =	stream.indirect.gather [spmem:s2], $0x8, s20, s20, $0xb8;
	[tilespmem:$0x1F600] =	vst v63  }
0x34: {  	_ =	swait.ge [sflag:s25], $0x2C00  }
0x35: {  	[sflag:s25] =	ssyncset.done $0x0  }
0x36: {  	[sflag:s25] =	ssyncadd.s32 $0xFFFFD400  }
0x37: {  	[spmem:s1] =	stream.indirect.scatter.add.f32 [tilespmem:s24], [sflag:$0x4], $0x8, s23, s20, $0xb8;
	[tilespmem:$0x1F600] =	vst v63  }
0x38: {  	_ =	swait.ge [sflag:s26], $0x2C00  }
0x39: {  	s30 =	sadd.s32 $0xFFFF9E60, s14;
	[sflag:s26] =	ssyncset.done $0x0  }
0x3a: {  	s31 =	sadd.s32 $0x6300, s30;
	[sflag:s26] =	ssyncadd.s32 $0xFFFFD400  }
0x3b: {  	[tilespmem:s3], [sflag:$0x5] =	stream.linear.gather [hbm4b:s31+s3], $0x580, $0x38;
	[tilespmem:$0x1F600] =	vst v63  }
0x3c: {  	_ =	swait.ge [sflag:s16], $0x580  }
0x3d: {  	s31 =	sadd.s32 $0xFFFF9E60, s13;
	[sflag:s16] =	ssyncset.done $0x0  }
0x3e: {  	s0 =	sadd.s32 $0x6300, s31;
	[sflag:s16] =	ssyncadd.s32 $0xFFFFFA80  }
0x3f: {  	[tilespmem:s19], [sflag:$0x5] =	stream.linear.gather [hbm4b:s0+s3], $0x580, $0x38;
	[tilespmem:$0x1F600] =	vst v63  }
0x40: {  	_ =	swait.ge [sflag:s16], $0x580  }
0x41: {  	[sflag:s16] =	ssyncset.done $0x0  }
0x42: {  	[sflag:s16] =	ssyncadd.s32 $0xFFFFFA80  }
0x43: {  	[tilespmem:s21], [sflag:$0x1] =	stream.indirect.gather [spmem:s2], $0x8, s3, s20, $0xb8;
	[tilespmem:$0x1F600] =	vst v63  }
0x44: {  	_ =	swait.ge [sflag:s22], $0x2C00  }
0x45: {  	[sflag:s22] =	ssyncset.done $0x0  }
0x46: {  	[sflag:s22] =	ssyncadd.s32 $0xFFFFD400  }
0x47: {  	[spmem:s1] =	stream.indirect.scatter.add.f32 [tilespmem:s21], [sflag:$0x3], $0x8, s19, s20, $0xb8;
	[tilespmem:$0x1F600] =	vst v63  }
0x48: {  	_ =	swait.ge [sflag:s28], $0x2C00  }
0x49: {  	[sflag:s28] =	ssyncset.done $0x0  }
0x4a: {  	s4 =	sadd.s32 $0x63B0, s30;
	[sflag:s28] =	ssyncadd.s32 $0xFFFFD400  }
0x4b: {  	[tilespmem:s20], [sflag:$0x5] =	stream.linear.gather [hbm4b:s4+s3], $0x580, $0x38;
	[tilespmem:$0x1F600] =	vst v63  }
0x4c: {  	_ =	swait.ge [sflag:s16], $0x580  }
0x4d: {  	[sflag:s16] =	ssyncset.done $0x0  }
0x4e: {  	s31 =	sadd.s32 $0x63B0, s31;
	[sflag:s16] =	ssyncadd.s32 $0xFFFFFA80  }
0x4f: {  	[tilespmem:s23], [sflag:$0x5] =	stream.linear.gather [hbm4b:s31+s3], $0x580, $0x38;
	[tilespmem:$0x1F600] =	vst v63  }
0x50: {  	_ =	swait.ge [sflag:s16], $0x580  }
0x51: {  	[sflag:s16] =	ssyncset.done $0x0  }
0x52: {  	[sflag:s16] =	ssyncadd.s32 $0xFFFFFA80  }
0x53: {  	[tilespmem:s24], [sflag:$0x2] =	stream.indirect.gather [spmem:s2], $0x8, s20, s20, $0xb8;
	[tilespmem:$0x1F600] =	vst v63  }
0x54: {  	_ =	swait.ge [sflag:s25], $0x2C00  }
0x55: {  	[sflag:s25] =	ssyncset.done $0x0  }
0x56: {  	s30 =	simm.s32 $0xFFFF9FC0;
	[sflag:s25] =	ssyncadd.s32 $0xFFFFD400  }
.LBB2_2:
0x57: {  	[spmem:s1] =	stream.indirect.scatter.add.f32 [tilespmem:s24], [sflag:$0x4], $0x8, s23, s20, $0xb8;
	[tilespmem:$0x1F600] =	vst v63  }
0x58: {  	s0 =	smov.u32 s30  }
0x59: {  	p0 =	sne.s32 s30, $0xFFFFFEA0;
	s30 =	sadd.s32 $0x160, s30;
	_ =	swait.ge [sflag:s26], $0x2C00  }
0x5a: {  	s31 =	sadd.s32 s0, s14;
	[sflag:s26] =	ssyncset.done $0x0  }
0x5b: {  	s4 =	sadd.s32 $0x6300, s31;
	[sflag:s26] =	ssyncadd.s32 $0xFFFFD400  }
0x5c: {  	[tilespmem:s3], [sflag:$0x5] =	stream.linear.gather [hbm4b:s4+s3], $0x580, $0x38;
	[tilespmem:$0x1F600] =	vst v63  }
0x5d: {  	_ =	swait.ge [sflag:s16], $0x580  }
0x5e: {  	s0 =	sadd.s32 s0, s13;
	[sflag:s16] =	ssyncset.done $0x0  }
0x5f: {  	s4 =	sadd.s32 $0x6300, s0;
	[sflag:s16] =	ssyncadd.s32 $0xFFFFFA80  }
0x60: {  	[tilespmem:s19], [sflag:$0x5] =	stream.linear.gather [hbm4b:s4+s3], $0x580, $0x38;
	[tilespmem:$0x1F600] =	vst v63  }
0x61: {  	_ =	swait.ge [sflag:s16], $0x580  }
0x62: {  	[sflag:s16] =	ssyncset.done $0x0  }
0x63: {  	[sflag:s16] =	ssyncadd.s32 $0xFFFFFA80  }
0x64: {  	[tilespmem:s21], [sflag:$0x1] =	stream.indirect.gather [spmem:s2], $0x8, s3, s20, $0xb8;
	[tilespmem:$0x1F600] =	vst v63  }
0x65: {  	_ =	swait.ge [sflag:s22], $0x2C00  }
0x66: {  	[sflag:s22] =	ssyncset.done $0x0  }
0x67: {  	[sflag:s22] =	ssyncadd.s32 $0xFFFFD400  }
0x68: {  	[spmem:s1] =	stream.indirect.scatter.add.f32 [tilespmem:s21], [sflag:$0x3], $0x8, s19, s20, $0xb8;
	[tilespmem:$0x1F600] =	vst v63  }
0x69: {  	_ =	swait.ge [sflag:s28], $0x2C00  }
0x6a: {  	[sflag:s28] =	ssyncset.done $0x0  }
0x6b: {  	s4 =	sadd.s32 $0x63B0, s31;
	[sflag:s28] =	ssyncadd.s32 $0xFFFFD400  }
0x6c: {  	[tilespmem:s20], [sflag:$0x5] =	stream.linear.gather [hbm4b:s4+s3], $0x580, $0x38;
	[tilespmem:$0x1F600] =	vst v63  }
0x6d: {  	_ =	swait.ge [sflag:s16], $0x580  }
0x6e: {  	[sflag:s16] =	ssyncset.done $0x0  }
0x6f: {  	s0 =	sadd.s32 $0x63B0, s0;
	[sflag:s16] =	ssyncadd.s32 $0xFFFFFA80  }
0x70: {  	[tilespmem:s23], [sflag:$0x5] =	stream.linear.gather [hbm4b:s0+s3], $0x580, $0x38;
	[tilespmem:$0x1F600] =	vst v63  }
0x71: {  	_ =	swait.ge [sflag:s16], $0x580  }
0x72: {  	[sflag:s16] =	ssyncset.done $0x0  }
.Ltmp0:
0x73: {  	[sflag:s16] =	ssyncadd.s32 $0xFFFFFA80;
	(pc) =	sbr.rel @p0 .LBB2_2-.Ltmp0, $4  }
0x74: {  	[tilespmem:s24], [sflag:$0x2] =	stream.indirect.gather [spmem:s2], $0x8, s20, s20, $0xb8;
	[tilespmem:$0x1F600] =	vst v63  }
0x75: {  	_ =	swait.ge [sflag:s25], $0x2C00  }
0x76: {  	[sflag:s25] =	ssyncset.done $0x0  }
0x77: {  	[sflag:s25] =	ssyncadd.s32 $0xFFFFD400  }
0x78: {  	[spmem:s1] =	stream.indirect.scatter.add.f32 [tilespmem:s24], [sflag:$0x4], $0x8, s23, s20, $0xb8;
	[tilespmem:$0x1F600] =	vst v63  }
0x79: {  	_ =	swait.ge [sflag:s26], $0x2C00  }
0x7a: {  	[sflag:s26] =	ssyncset.done $0x0  }
0x7b: {  	[sflag:s26] =	ssyncadd.s32 $0xFFFFD400  }
0x7c: {  	_ =	swait.ge [sflag:s28], $0x2C00  }
0x7d: {  	s29 =	sadd.s32 $0x1, s29;
	[sflag:s28] =	ssyncset.done $0x0  }
0x7e: {  	p0 =	sne.s32 s29, s8;
	[sflag:s28] =	ssyncadd.s32 $0xFFFFD400  }
.Ltmp1:
0x7f: {  	[bflag:$0x0] =	sbarrier.arrive $0xFFFF;
	(pc) =	sbr.rel @p0 .LBB2_1-.Ltmp1, $4  }
0x80: {  	[hbm:s7], [sflag:s6] =	dma.local [spmem:s15], $0x1880  }
0x81: {  	_ =	swait.ge [sflag:s16], $0x1880  }
0x82: {  	[sflag:s16] =	ssyncset.done $0x0  }
0x83: {  	[sflag:s16] =	ssyncadd.s32 $0xFFFFE780  }
0x84: {  	_ =	sfence.sel $0x180000  }
0x85: {  	[bflag:$0x0] =	sbarrier.arrive $0xFFFF  }
0x86: {  	_ =	strace $0x9000004D  }
0x87: {  	s0 =	stileid.u32;
	[bflag:$0x2] =	sbarrier.arrive $0xFFFF  }
0x88: {  	p0 =	sne.s32 s0, $0x0;
	s0 =	rddreg [dreg:$0x3]  }
0x89: {  	s0 =	sadd.s32 @!p0 $0x100000, s0  }
0x8a: {  	[sflag:s0] =	ssyncadd.tile.s32 @!p0 $0x1;
	_ =	shalt  }
.Lfunc_end2:
_tile_overlayer_lowered:
.L_overlay_start_2:
0x8b: {  	(tag) =	ssettag $0x2  }
0x8c: {  	s0 =	rddreg [dreg:$0x0];
	s2 =	stileid.u32  }
0x8d: {  	s1 =	rddreg [dreg:$0x1];
	p0 =	sne.s32 s2, $0x0  }
0x8e: {  	s3 =	rddreg [dreg:$0x2];
	[bflag:$0x3] =	sbarrier.arrive $0xFFFF;
	s2 =	simm.s32 @!p0 $0x1C05  }
0x8f: {  	[timem:s3], [sflag:s2] =	dma.local @!p0 [hbm:s0], s1  }
0x90: {  	s0 =	simm.s32 @!p0 $0x5  }
0x91: {  	_ =	swait.ge @!p0 [sflag:s0], s1  }
0x92: {  	s1 =	ssub.s32 @!p0 $0x0, s1;
	[sflag:s0] =	ssyncset.done @!p0 $0x0  }
0x93: {  	[sflag:s0] =	ssyncadd.s32 @!p0 s1  }
0x94: {  	[bflag:$0x3] =	sbarrier.arrive $0xFFFF  }
0x95: {  	_ =	shalt  }

// kernel: kernel.9.cloned.1.call-start
scs
__scs_entry_jumppad:
0x0: {  	(pc) =	sbr.rel $0x88, $3  }
0x1: {  	(tag) =	ssettag $0x0;
	lr =	simm.s32 $0x1  }
0x2: {  	[smem:$0x3F9B] =	sst lr;
	_ =	strace $0xD0000000  }
0x3: {  	_ = 	snop  }
0x4: {  	_ = 	snop  }
0x5: {  	_ = 	snop  }
0x6: {  	_ = 	snop  }
0x7: {  	_ = 	snop  }
__scs_overlays_trampoline_lowered:
0x8: {  	[smem:$0x3FAA] =	sst s0  }
0x9: {  	[smem:$0x3FAB] =	sst s1  }
0xa: {  	[smem:$0x3FAC] =	sst s2  }
0xb: {  	[smem:$0x3FAD] =	sst s3  }
0xc: {  	[smem:$0x3FAE] =	sst s4  }
0xd: {  	[smem:$0x3FAF] =	sst s5  }
0xe: {  	[smem:$0x3FB0] =	sst s6  }
0xf: {  	[smem:$0x3FB1] =	sst s7  }
0x10: {  	[smem:$0x3FB2] =	sst s8  }
0x11: {  	[smem:$0x3FB3] =	sst s9;
	s0 =	simm.s32 @!p0 $0x0  }
0x12: {  	s1 =	sld [smem:$0x3F99];
	s0 =	simm.s32 @p0 $0x1  }
0x13: {  	[smem:$0x3FB4] =	sst s0;
	s0 =	simm.s32 @!p1 $0x0  }
0x14: {  	s2 =	sld [smem:$0x3F98];
	s0 =	simm.s32 @p1 $0x1  }
0x15: {  	[smem:$0x3FB5] =	sst s0;
	s0 =	simm.s32 @!p2 $0x0  }
0x16: {  	s3 =	sld [smem:$0x3FDB];
	s0 =	simm.s32 @p2 $0x1  }
0x17: {  	s4 =	simm.s32 $0x1BF5;
	[smem:$0x3FB7] =	sst s0  }
0x18: {  	s0 =	sld [smem:$0x3F9A];
	_ =	swait.ge [sflag:s4], $0x0  }
0x19: {  	s7 =	sld [smem:$0x3F9B]  }
0x1a: {  	s8 =	sadd.s32 $0xFFFFE003, lr  }
0x1b: {  	s9 =	sadd.s32 $0xFFFFFEF7, lr;
	s5 =	simm.s32 $0xFFFFFFFF;
	p2 =	slt.u32 s8, $0xFFFFF086  }
0x1c: {  	p1 =	slt.u32 s9, $0xF7A;
	s5 =	simm.s32 @!p2 $0x0  }
0x1d: {  	s5 =	simm.s32 @p1 $0x1;
	p0 =	seq.s32 s7, s2  }
0x1e: {  	s7 =	smul.u32 @!p0 $0xF7A, s2;
	p2 =	seq.s32 @!p0 s5, $0x0  }
0x1f: {  	s9 =	smul.u32 $0xF7A, s1;
	s8 =	simm.s32 @!p0 $0x1BF5;
	p2 =	por !p2, p0  }
0x20: {  	[sflag:s8] =	ssyncset.s32 @!p0 $0xFFFFF086;
	s6 =	sadd.s32 @!p0 s3, s7;
	s7 =	simm.s32 @!p0 $0x108  }
0x21: {  	s3 =	sadd.s32 s3, s9;
	s6 =	sadd.s32 @!p0 $0x88, s6;
	s7 =	simm.s32 @p2 $0x1082  }
0x22: {  	[simem:s7], [sflag:s8] =	dma.local @!p0 [hbm:s6], $0xF7A  }
0x23: {  	s9 =	sor.u32 $0xD0000000, s2;
	s6 =	simm.s32 $0x108;
	_ =	swait.ge @!p0 [sflag:s8], $0x0  }
0x24: {  	s3 =	sadd.s32 $0x88, s3;
	s6 =	simm.s32 @!p1 $0x1082;
	[sflag:s4] =	ssyncset.s32 $0xFFFFF086  }
0x25: {  	[simem:s6], [sflag:s4] =	dma.local [hbm:s3], $0xF7A  }
0x26: {  	[smem:$0x3F9B] =	sst s1;
	(tag) =	ssettag s2;
	_ =	strace s9  }
0x27: {  	s1 =	sld [smem:$0x3FAB]  }
0x28: {  	s2 =	sld [smem:$0x3FAC]  }
0x29: {  	s4 =	sld [smem:$0x3FAE]  }
0x2a: {  	p0 =	seq.s32 s5, $0x0;
	s5 =	sld [smem:$0x3FAF]  }
0x2b: {  	s6 =	sld [smem:$0x3FB0]  }
0x2c: {  	s7 =	sld [smem:$0x3FB1]  }
0x2d: {  	s3 =	simm.s32 $0x108;
	s8 =	sld [smem:$0x3FB2]  }
0x2e: {  	s3 =	simm.s32 @!p0 $0x1082;
	s9 =	sld [smem:$0x3FB3]  }
0x2f: {  	lr =	sadd.s32 s0, s3;
	s0 =	sld [smem:$0x3FAA]  }
0x30: {  	s3 =	sld [smem:$0x3FAD]  }
0x31: {  	[smem:$0x3FB6] =	sst s10  }
0x32: {  	s10 =	sld [smem:$0x3FB4];
	_ =	sdelay $0x3  }
0x33: {  	p0 =	seq.s32 s10, $0x1;
	s10 =	sld [smem:$0x3FB6];
	_ =	sdelay $0x3  }
0x34: {  	[smem:$0x3FB6] =	sst s10  }
0x35: {  	s10 =	sld [smem:$0x3FB5];
	_ =	sdelay $0x3  }
0x36: {  	p1 =	seq.s32 s10, $0x1;
	s10 =	sld [smem:$0x3FB6];
	_ =	sdelay $0x3  }
0x37: {  	[smem:$0x3FB6] =	sst s10  }
0x38: {  	s10 =	sld [smem:$0x3FB7]  }
0x39: {  	_ = 	snop;
	(pc) =	sbr.ind lr, $3  }
0x3a: {  	_ = 	snop  }
0x3b: {  	_ = 	snop  }
0x3c: {  	p2 =	seq.s32 s10, $0x1;
	s10 =	sld [smem:$0x3FB6]  }
0x3d: {  	_ =	shalt  }
0x3e: {  	_ =	shalt  }
0x3f: {  	_ =	shalt  }
0x40: {  	_ =	shalt  }
0x41: {  	_ =	shalt  }
0x42: {  	_ =	shalt  }
0x43: {  	_ =	shalt  }
0x44: {  	_ =	shalt  }
0x45: {  	_ =	shalt  }
0x46: {  	_ =	shalt  }
0x47: {  	_ =	shalt  }
0x48: {  	_ =	shalt  }
0x49: {  	_ =	shalt  }
0x4a: {  	_ =	shalt  }
0x4b: {  	_ =	shalt  }
0x4c: {  	_ =	shalt  }
0x4d: {  	_ =	shalt  }
0x4e: {  	_ =	shalt  }
0x4f: {  	_ =	shalt  }
0x50: {  	_ =	shalt  }
0x51: {  	_ =	shalt  }
0x52: {  	_ =	shalt  }
0x53: {  	_ =	shalt  }
0x54: {  	_ =	shalt  }
0x55: {  	_ =	shalt  }
0x56: {  	_ =	shalt  }
0x57: {  	_ =	shalt  }
0x58: {  	_ =	shalt  }
0x59: {  	_ =	shalt  }
0x5a: {  	_ =	shalt  }
0x5b: {  	_ =	shalt  }
0x5c: {  	_ =	shalt  }
0x5d: {  	_ =	shalt  }
0x5e: {  	_ =	shalt  }
0x5f: {  	_ =	shalt  }
0x60: {  	_ =	shalt  }
0x61: {  	_ =	shalt  }
0x62: {  	_ =	shalt  }
0x63: {  	_ =	shalt  }
0x64: {  	_ =	shalt  }
0x65: {  	_ =	shalt  }
0x66: {  	_ =	shalt  }
0x67: {  	_ =	shalt  }
0x68: {  	_ =	shalt  }
0x69: {  	_ =	shalt  }
0x6a: {  	_ =	shalt  }
0x6b: {  	_ =	shalt  }
0x6c: {  	_ =	shalt  }
0x6d: {  	_ =	shalt  }
0x6e: {  	_ =	shalt  }
0x6f: {  	_ =	shalt  }
0x70: {  	_ =	shalt  }
0x71: {  	_ =	shalt  }
0x72: {  	_ =	shalt  }
0x73: {  	_ =	shalt  }
0x74: {  	_ =	shalt  }
0x75: {  	_ =	shalt  }
0x76: {  	_ =	shalt  }
0x77: {  	_ =	shalt  }
0x78: {  	_ =	shalt  }
0x79: {  	_ =	shalt  }
0x7a: {  	_ =	shalt  }
0x7b: {  	_ =	shalt  }
0x7c: {  	_ =	shalt  }
0x7d: {  	_ =	shalt  }
0x7e: {  	_ =	shalt  }
0x7f: {  	_ =	shalt  }
0x80: {  	_ =	shalt  }
0x81: {  	_ =	shalt  }
0x82: {  	_ =	shalt  }
0x83: {  	_ =	shalt  }
0x84: {  	_ =	shalt  }
0x85: {  	_ =	shalt  }
0x86: {  	_ =	shalt  }
0x87: {  	_ =	shalt  }
.Lfunc_end0:
.L_simem_size_0:
called_computation_lowered:
.L_overlay_start_0:
0x88: {  	s2 =	sld [smem:$0x3FD9]  }
0x89: {  	s3 =	sld [smem:$0x3FFE];
	_ =	sdelay $0x1  }
0x8a: {  	s1 =	srdreg.scid  }
0x8b: {  	s0 =	sand.u32 $0x1, s1  }
0x8c: {  	s17 =	sshll.u32 s0, $0xA;
	s2 =	sadd.s32 s3, s2  }
0x8d: {  	s2 =	sadd.s32 s2, s17  }
0x8e: {  	[smem:$0x3FC2] =	sst s2  }
0x8f: {  	_ = 	snop  }
0x90: {  	s2 =	sld [smem:$0x3FD0];
	(tm) =	ssettm $0x1  }
0x91: {  	s18 =	sld [smem:$0x3FFB];
	_ =	sdelay $0x3  }
0x92: {  	_ =	strace s18  }
0x93: {  	s3 =	sld [smem:$0x3FFC];
	_ =	sdelay $0x3  }
0x94: {  	_ =	strace s3  }
0x95: {  	s3 =	sld [smem:$0x3FFD];
	_ =	sdelay $0x3  }
0x96: {  	_ =	strace s3  }
0x97: {  	_ =	strace $0x8FFFFFFF  }
0x98: {  	s19 =	sld [smem:$0x3FDB];
	_ =	sdelay $0x1  }
0x99: {  	s4 =	simm.s32 $_scs_section_size  }
0x9a: {  	s5 =	simm.s32 $_size__tile_overlayer_lowered;
	s6 =	simm.s32 $_tile_overlayer_lowered  }
0x9b: {  	s22 =	simm.s32 $0x1BFF;
	s21 =	sshll.u32 s6, $0x1;
	s3 =	sadd.s32 s4, s19  }
0x9c: {  	s7 =	simm.s32 $0x0;
	s20 =	sshll.u32 s5, $0x1;
	s5 =	sadd.s32 s21, s3  }
0x9d: {  	[timem:s7], [sflag:s22] =	dma.local [hbm:s5], s20  }
0x9e: {  	_ =	swait.ge [sflag:s22], s20  }
0x9f: {  	s4 =	ssub.s32 $0x0, s20;
	[sflag:s22] =	ssyncset.done $0x0  }
0xa0: {  	[sflag:s22] =	ssyncadd.s32 s4;
	_ =	sdelay $0x1  }
0xa1: {  	s23 =	simm.s32 $0x1B8B  }
0xa2: {  	_ =	swait.ge [sflag:s23], $0x1  }
0xa3: {  	[sflag:s23] =	ssyncset.done $0x0  }
0xa4: {  	s25 =	simm.s32 $0x1B8E;
	s24 =	sld [smem:$0x3FFE];
	[sflag:s23] =	ssyncadd.s32 $0xFFFFFFFF  }
0xa5: {  	s26 =	simm.s32 $execute0_lowered;
	[smem:$0x3FD2] =	sst s25  }
0xa6: {  	s5 =	sshll.u32 s26, $0x1;
	_ =	strace $0x80000046;
	[dreg:$0x1] =	wrdreg $0xFFFFFFFF  }
0xa7: {  	s28 =	simm.s32 $_size_execute0_lowered;
	s3 =	sadd.s32 s3, s5;
	[dreg:$0x0] =	wrdreg $0x0  }
0xa8: {  	s5 =	sshll.u32 s28, $0x1;
	[dreg:$0x2] =	wrdreg s3  }
0xa9: {  	[dreg:$0x3] =	wrdreg s5  }
0xaa: {  	[dreg:$0x4] =	wrdreg $0xC0  }
0xab: {  	_ =	task [dreg:s7], $0x5FFFF  }
0xac: {  	[dreg:$0x1] =	wrdreg $0xFFFFFFFF  }
0xad: {  	[dreg:$0x0] =	wrdreg $0x60  }
0xae: {  	[dreg:$0x2] =	wrdreg s24  }
0xaf: {  	[dreg:$0x3] =	wrdreg s2  }
0xb0: {  	[dreg:$0x4] =	wrdreg $0x12000  }
0xb1: {  	[dreg:$0x5] =	wrdreg $0x9  }
0xb2: {  	_ =	task.clear_ibuf [dreg:s7], $0x6FFFF;
	_ =	strace $0x90000046  }
0xb3: {  	s29 =	simm.s32 $0x9;
	_ =	strace $0x80000048  }
0xb4: {  	_ =	swait.ge [sflag:s29], $0x1  }
0xb5: {  	[sflag:s29] =	ssyncadd.s32 $0xFFFFFFFF  }
0xb6: {  	_ =	strace $0x90000048  }
0xb7: {  	_ =	sfence  }
0xb8: {  	s30 =	sld [smem:$0x0];
	_ =	sdelay $0x2  }
0xb9: {  	s31 =	sshll.u32 s1, $0xD;
	s1 =	sshrl.u32 s1, $0x2  }
0xba: {  	s3 =	sand.u32 $0x4000, s31;
	s1 =	sadd.s32 s1, s30  }
0xbb: {  	s0 =	sor.u32 s3, s0;
	s1 =	sshll.u32 s1, $0x11  }
0xbc: {  	s0 =	sor.u32 s1, s0  }
0xbd: {  	s0 =	sadd.s32 $0x8F2B, s0  }
0xbe: {  	[sflag:s0] =	ssyncadd.remote.s32 $0x1  }
0xbf: {  	_ =	sfence.sel $0xFFFF  }
0xc0: {  	[dreg:$0x0] =	wrdreg $0xFFFFFFFF;
	(pc) =	sbr.abs _section_cstart, $3  }
0xc1: {  	[dreg:$0x1] =	wrdreg $0xFFFFFFFF  }
0xc2: {  	_ =	task.clear_ibuf [dreg:s7], $0x2FFFF;
	_ =	strace $0x9FFFFFFF  }
0xc3: {  	(tm) =	ssettm $0x7FFFFFFF  }
tec
execute0_lowered:
.L_overlay_start_1:
0x0: {  	(tag) =	ssettag $0x1  }
0x1: {  	s6 =	rddreg [dreg:$0x0]  }
0x2: {  	s7 =	rddreg [dreg:$0x1]  }
0x3: {  	s1 =	rddreg [dreg:$0x2]  }
0x4: {  	s0 =	rddreg [dreg:$0x3];
	s3 =	simm.s32 $0x0;
	s5 =	srdreg.scid  }
0x5: {  	s2 =	stileid.u32;
	s17 =	simm.s32 $0x600;
	s18 =	simm.s32 $0x1  }
0x6: {  	s19 =	simm.s32 $0x2;
	s20 =	simm.s32 $0x0;
	[smem:$0x7FF] =	sst s3  }
0x7: {  	s4 =	sadd.s32 $0x2E00, s6;
	s8 =	sand.u32 $0x1, s5;
	s9 =	smul.u32 $0x1880, s2  }
0x8: {  	s5 =	sadd.s32 $0x65E00, s6;
	s6 =	sadd.s32 $0x66000, s6;
	s14 =	smul.u32 $0x18C00, s2  }
0x9: {  	s15 =	sshll.u32 s2, $0x6;
	_ =	strace $0x80000047;
	s10 =	smul.u32 $0x18800, s8  }
0xa: {  	s11 =	ssub.s32 $0x2, s8;
	s12 =	sshll.u32 s8, $0x4;
	s8 =	smul.u32 $0x18C000, s8  }
0xb: {  	s15 =	sor.u32 $0x1C03, s15;
	s13 =	sshrl.u32 s11, $0x1;
	s12 =	sor.u32 s2, s12  }
0xc: {  	s16 =	sadd.s32 s9, s1;
	s11 =	ssub.s32 s11, s13;
	s12 =	smul.u32 $0x18C00, s12  }
0xd: {  	s10 =	sadd.s32 s9, s10;
	s28 =	sadd.s32 s14, s8;
	s13 =	simm.s32 $0xC00  }
0xe: {  	s14 =	simm.s32 $0x3;
	s16 =	sshrl.u32 s16, $0x3;
	s26 =	sshrl.u32 s10, $0x3  }
0xf: {  	s30 =	sadd.s32 $0x1200, s28;
	s8 =	smax.u32 s11, $0x1;
	s29 =	sshrl.u32 s12, $0x3  }
0x10: {  	s7 =	sadd.s32 s7, s26;
	s31 =	sshrl.u32 s30, $0x3;
	s9 =	sadd.s32 s4, s29  }
0x11: {  	s12 =	sadd.s32 $0xC00, s28;
	s11 =	sadd.s32 s31, s4;
	s10 =	sadd.s32 $0xC0, s9  }
.LBB2_1:
0x12: {  	[tilespmem:s13], [sflag:$0x3] =	stream.linear.gather [hbm4b:s5+s3], $0x600, $0x38;
	[tilespmem:$0x2A80] =	vst v63  }
0x13: {  	_ =	swait.ge [sflag:s14], $0x600  }
0x14: {  	[sflag:s14] =	ssyncset.done $0x0  }
0x15: {  	[sflag:s14] =	ssyncadd.s32 $0xFFFFFA00  }
0x16: {  	[spmem:s16], [sflag:s15] =	dma.local [hbm:s6], $0x310  }
0x17: {  	_ =	swait.ge [sflag:s14], $0x310  }
0x18: {  	[sflag:s14] =	ssyncset.done $0x0  }
0x19: {  	[sflag:s14] =	ssyncadd.s32 $0xFFFFFCF0  }
0x1a: {  	[bflag:$0x0] =	sbarrier.arrive $0xFFFF  }
0x1b: {  	[tilespmem:s3], [sflag:$0x3] =	stream.linear.gather [hbm4b:s9+s3], $0x600, $0x38;
	[tilespmem:$0x2A80] =	vst v63  }
0x1c: {  	_ =	swait.ge [sflag:s14], $0x600  }
0x1d: {  	[sflag:s14] =	ssyncset.done $0x0  }
0x1e: {  	[sflag:s14] =	ssyncadd.s32 $0xFFFFFA00  }
0x1f: {  	[spmem:s1] =	stream.indirect.scatter.add.f32 [tilespmem:s13], [sflag:$0x1], $0x1, s3, s17, $0xb8;
	[tilespmem:$0x2A80] =	vst v63  }
0x20: {  	_ = 	snop  }
0x21: {  	[tilespmem:s17], [sflag:$0x3] =	stream.linear.gather [hbm4b:s10+s3], $0x600, $0x38;
	[tilespmem:$0x2A80] =	vst v63  }
0x22: {  	_ =	swait.ge [sflag:s14], $0x600  }
0x23: {  	[sflag:s14] =	ssyncset.done $0x0  }
0x24: {  	[sflag:s14] =	ssyncadd.s32 $0xFFFFFA00  }
0x25: {  	[spmem:s1] =	stream.indirect.scatter.add.f32 [tilespmem:s13], [sflag:$0x2], $0x1, s17, s17, $0xb8;
	[tilespmem:$0x2A80] =	vst v63  }
0x26: {  	_ =	swait.ge [sflag:s18], $0x600  }
0x27: {  	s21 =	sshrl.u32 s12, $0x3;
	[sflag:s18] =	ssyncset.done $0x0  }
0x28: {  	s21 =	sadd.s32 s4, s21;
	[sflag:s18] =	ssyncadd.s32 $0xFFFFFA00  }
0x29: {  	[tilespmem:s3], [sflag:$0x3] =	stream.linear.gather [hbm4b:s21+s3], $0x600, $0x38;
	[tilespmem:$0x2A80] =	vst v63  }
0x2a: {  	_ =	swait.ge [sflag:s14], $0x600  }
0x2b: {  	[sflag:s14] =	ssyncset.done $0x0  }
0x2c: {  	[sflag:s14] =	ssyncadd.s32 $0xFFFFFA00  }
0x2d: {  	[spmem:s1] =	stream.indirect.scatter.add.f32 [tilespmem:s13], [sflag:$0x1], $0x1, s3, s17, $0xb8;
	[tilespmem:$0x2A80] =	vst v63  }
0x2e: {  	_ =	swait.ge [sflag:s19], $0x600  }
0x2f: {  	[sflag:s19] =	ssyncset.done $0x0  }
0x30: {  	s31 =	sadd.s32 $0x0, s11;
	[sflag:s19] =	ssyncadd.s32 $0xFFFFFA00  }
0x31: {  	[tilespmem:s17], [sflag:$0x3] =	stream.linear.gather [hbm4b:s31+s3], $0x600, $0x38;
	[tilespmem:$0x2A80] =	vst v63  }
0x32: {  	_ =	swait.ge [sflag:s14], $0x600  }
0x33: {  	[sflag:s14] =	ssyncset.done $0x0  }
0x34: {  	s22 =	sadd.s32 $0xC00, s12;
	s21 =	simm.s32 $0x180;
	[sflag:s14] =	ssyncadd.s32 $0xFFFFFA00  }
.LBB2_2:
0x35: {  	[spmem:s1] =	stream.indirect.scatter.add.f32 [tilespmem:s13], [sflag:$0x2], $0x1, s17, s17, $0xb8;
	[tilespmem:$0x2A80] =	vst v63  }
0x36: {  	s23 =	smov.u32 s21  }
0x37: {  	p0 =	sne.s32 s21, $0x2E80;
	s21 =	sadd.s32 $0x180, s21;
	_ =	swait.ge [sflag:s18], $0x600  }
0x38: {  	s24 =	sshrl.u32 s22, $0x3;
	[sflag:s18] =	ssyncset.done $0x0  }
0x39: {  	s24 =	sadd.s32 s4, s24;
	[sflag:s18] =	ssyncadd.s32 $0xFFFFFA00  }
0x3a: {  	[tilespmem:s3], [sflag:$0x3] =	stream.linear.gather [hbm4b:s24+s3], $0x600, $0x38;
	[tilespmem:$0x2A80] =	vst v63  }
0x3b: {  	_ =	swait.ge [sflag:s14], $0x600  }
0x3c: {  	[sflag:s14] =	ssyncset.done $0x0  }
0x3d: {  	[sflag:s14] =	ssyncadd.s32 $0xFFFFFA00  }
0x3e: {  	[spmem:s1] =	stream.indirect.scatter.add.f32 [tilespmem:s13], [sflag:$0x1], $0x1, s3, s17, $0xb8;
	[tilespmem:$0x2A80] =	vst v63  }
0x3f: {  	_ =	swait.ge [sflag:s19], $0x600  }
0x40: {  	[sflag:s19] =	ssyncset.done $0x0  }
.Ltmp0:
0x41: {  	s23 =	sadd.s32 s23, s11;
	[sflag:s19] =	ssyncadd.s32 $0xFFFFFA00;
	(pc) =	sbr.rel @p0 .LBB2_2-.Ltmp0, $4  }
0x42: {  	[tilespmem:s17], [sflag:$0x3] =	stream.linear.gather [hbm4b:s23+s3], $0x600, $0x38;
	[tilespmem:$0x2A80] =	vst v63  }
0x43: {  	_ =	swait.ge [sflag:s14], $0x600  }
0x44: {  	[sflag:s14] =	ssyncset.done $0x0  }
0x45: {  	s22 =	sadd.s32 $0xC00, s22;
	[sflag:s14] =	ssyncadd.s32 $0xFFFFFA00  }
0x46: {  	[spmem:s1] =	stream.indirect.scatter.add.f32 [tilespmem:s13], [sflag:$0x2], $0x1, s17, s17, $0xb8;
	[tilespmem:$0x2A80] =	vst v63  }
0x47: {  	_ =	swait.ge [sflag:s18], $0x600  }
0x48: {  	[sflag:s18] =	ssyncset.done $0x0  }
0x49: {  	[sflag:s18] =	ssyncadd.s32 $0xFFFFFA00  }
0x4a: {  	_ =	swait.ge [sflag:s19], $0x600  }
0x4b: {  	s20 =	sadd.s32 $0x1, s20;
	[sflag:s19] =	ssyncset.done $0x0  }
0x4c: {  	p0 =	sne.s32 s20, s8;
	[sflag:s19] =	ssyncadd.s32 $0xFFFFFA00  }
.Ltmp1:
0x4d: {  	[bflag:$0x0] =	sbarrier.arrive $0xFFFF;
	(pc) =	sbr.rel @p0 .LBB2_1-.Ltmp1, $4  }
0x4e: {  	[hbm:s7], [sflag:s15] =	dma.local [spmem:s16], $0x310  }
0x4f: {  	_ =	swait.ge [sflag:s14], $0x310  }
0x50: {  	[sflag:s14] =	ssyncset.done $0x0  }
0x51: {  	[sflag:s14] =	ssyncadd.s32 $0xFFFFFCF0  }
0x52: {  	_ =	sfence.sel $0x180000  }
0x53: {  	[bflag:$0x0] =	sbarrier.arrive $0xFFFF  }
0x54: {  	p0 =	sne.s32 s2, $0x0;
	_ =	strace $0x90000047  }
0x55: {  	s0 =	sadd.s32 @!p0 $0x100000, s0;
	[bflag:$0x2] =	sbarrier.arrive $0xFFFF  }
0x56: {  	[sflag:s0] =	ssyncadd.tile.s32 @!p0 $0x1;
	_ =	shalt  }
.Lfunc_end2:
_tile_overlayer_lowered:
.L_overlay_start_2:
0x57: {  	(tag) =	ssettag $0x2  }
0x58: {  	s0 =	rddreg [dreg:$0x0];
	s2 =	stileid.u32  }
0x59: {  	s1 =	rddreg [dreg:$0x1];
	p0 =	sne.s32 s2, $0x0  }
0x5a: {  	s3 =	rddreg [dreg:$0x2];
	[bflag:$0x3] =	sbarrier.arrive $0xFFFF;
	s2 =	simm.s32 @!p0 $0x1C03  }
0x5b: {  	[timem:s3], [sflag:s2] =	dma.local @!p0 [hbm:s0], s1  }
0x5c: {  	s0 =	simm.s32 @!p0 $0x3  }
0x5d: {  	_ =	swait.ge @!p0 [sflag:s0], s1  }
0x5e: {  	s1 =	ssub.s32 @!p0 $0x0, s1;
	[sflag:s0] =	ssyncset.done @!p0 $0x0  }
0x5f: {  	[sflag:s0] =	ssyncadd.s32 @!p0 s1  }
0x60: {  	[bflag:$0x3] =	sbarrier.arrive $0xFFFF  }
0x61: {  	_ =	shalt  }

</sc_bundles>
